<compile_context>
chip_gen: v7x
topology: tpu7x:2x2x1
jax: 0.10.2.dev20260603
libtpu: 0.0.44.dev20260713+nightly
codegen_flags: <defaults>
</compile_context>

<pallas_src>
import functools

import jax
import jax.numpy as jnp
import numpy as np
from jax import lax
from jax.experimental import pallas as pl
from jax.experimental.pallas import tpu as pltpu
from jax.experimental.pallas import tpu_sc as plsc

_B, _L, _DIN, _DOUT, _E = 1024, 50, 768, 64, 8
_NTOK = _B * _L

_NC, _NS = 2, 16
_NW = _NC * _NS
_BPW = _NTOK // _NW
_C = 80
_K = _BPW // _C
_NBLK = 1000000 // 8


_RC = 160


def _gather_body(tab_hbm, idx_hbm, out_hbm, idx_v, rows_v, sem):
    wid = lax.axis_index("s") * _NC + lax.axis_index("c")
    base = wid * _BPW
    pltpu.sync_copy(idx_hbm.at[wid], idx_v)
    lanes = jnp.arange(16, dtype=jnp.int32)

    def big(bc, carry):
        def group(g, carry2):
            v16 = idx_v[pl.ds((bc * 10 + g) * 16, 16)]
            copies = []
            for j in range(16):
                i = jnp.sum(jnp.where(lanes == j, v16, 0))
                copies.append(
                    pltpu.async_copy(
                        tab_hbm.at[pl.ds(i, 1)],
                        rows_v.at[pl.ds(g * 16 + j, 1)],
                        sem,
                    )
                )
            for cp in copies:
                cp.wait()
            return carry2

        lax.fori_loop(0, _RC // 16, group, 0)
        pltpu.sync_copy(rows_v, out_hbm.at[pl.ds(base + bc * _RC, _RC)])
        return carry

    lax.fori_loop(0, _BPW // _RC, big, 0)


def _sc_gather(table, idx2):
    mesh = plsc.VectorSubcoreMesh(core_axis_name="c", subcore_axis_name="s")
    return pl.kernel(
        _gather_body,
        mesh=mesh,
        out_type=jax.ShapeDtypeStruct((_NTOK, _DOUT), jnp.float32),
        scratch_types=[
            pltpu.VMEM((_BPW,), jnp.int32),
            pltpu.VMEM((_RC, _DOUT), jnp.float32),
            pltpu.SemaphoreType.DMA,
        ],
        compiler_params=pltpu.CompilerParams(needs_layout_passes=False),
    )(table, idx2)


_T = 2048


def _moe_body(x_ref, wg_ref, we_ref, sel_ref, bg_ref, o_ref):
    x = x_ref[...]
    logits = jnp.dot(x, wg_ref[...], preferred_element_type=jnp.float32)
    g = jax.nn.softmax(logits, axis=-1)
    y = jnp.dot(
        x.astype(jnp.bfloat16), we_ref[...], preferred_element_type=jnp.float32
    )
    grep = jnp.dot(g, sel_ref[...], preferred_element_type=jnp.float32)
    z = (y * grep).reshape(_T, 4, 128)
    s = jnp.sum(z, axis=1)
    acc = s[:, :_DOUT] + s[:, _DOUT:]
    acc = acc + jnp.dot(g, bg_ref[...], preferred_element_type=jnp.float32)
    o_ref[...] = acc


def _tc_moe(x, wg, we_cat, sel, be):
    return pl.pallas_call(
        _moe_body,
        grid=(_NTOK // _T,),
        in_specs=[
            pl.BlockSpec((_T, _DIN), lambda i: (i, 0)),
            pl.BlockSpec((_DIN, _E), lambda i: (0, 0)),
            pl.BlockSpec((_DIN, _E * _DOUT), lambda i: (0, 0)),
            pl.BlockSpec((_E, _E * _DOUT), lambda i: (0, 0)),
            pl.BlockSpec((_E, _DOUT), lambda i: (0, 0)),
        ],
        out_specs=pl.BlockSpec((_T, _DOUT), lambda i: (i, 0)),
        out_shape=jax.ShapeDtypeStruct((_NTOK, _DOUT), jnp.float32),
    )(x, wg, we_cat, sel, be)


def _add_body(a_ref, b_ref, o_ref):
    o_ref[0] = jnp.transpose(a_ref[...] + b_ref[...])


def _tc_add(a, b):
    return pl.pallas_call(
        _add_body,
        grid=(_L,),
        in_specs=[
            pl.BlockSpec((_B, _DOUT), lambda i: (i, 0)),
            pl.BlockSpec((_B, _DOUT), lambda i: (i, 0)),
        ],
        out_specs=pl.BlockSpec((1, _DOUT, _B), lambda i: (i, 0, 0)),
        out_shape=jax.ShapeDtypeStruct((_L, _DOUT, _B), jnp.float32),
    )(a, b)


def kernel(item_feat, item_id, table, W_e, b_e, W_g):
    x = item_feat.transpose(1, 0, 2).reshape(_NTOK, _DIN)
    idx2 = item_id.T.reshape(_NW, _BPW).astype(jnp.int32)
    emb = _sc_gather(table, idx2)
    we_cat = jnp.transpose(W_e, (1, 0, 2)).reshape(_DIN, _E * _DOUT)
    we_cat = we_cat.astype(jnp.bfloat16)
    sel = jnp.asarray(np.repeat(np.eye(_E, dtype=np.float32), _DOUT, axis=1))
    moe = _tc_moe(x, W_g, we_cat, sel, b_e)
    out = _tc_add(moe, emb)
    return out.transpose(2, 0, 1)

# --- scband reference (transcript-rebuilt; emitter-appended) ---
"""Pipeline reference for scband-unis-rec-item-encoder-83923660964102 (READ-ONLY COPY).

The authoritative reference and input builder live on the scoring server;
editing this copy changes nothing except your own understanding.
"""

import jax, jax.numpy as jnp
import numpy as np

B, L, D_IN, D_OUT, V, E = 1024, 50, 768, 64, 1000000, 8

def setup_inputs(seed: int = 0) -> dict:
    key = jax.random.key(seed)
    k1, k2, k3, k4, k5, k6 = jax.random.split(key, 6)
    item_feat = jax.random.normal(k1, (B, L, D_IN), dtype=jnp.float32)
    item_id = jax.random.randint(k2, (B, L), 0, V, dtype=jnp.int64)
    # Embedding table (padding_idx=0 -> row 0 zeroed, matching torch init behavior)
    table = jax.random.normal(k3, (V, D_OUT), dtype=jnp.float32) * 0.02
    table = table.at[0].set(0.0)
    # MoE adaptor (UniSRec MoEAdaptorLayer): E parallel whitening/linear experts + softmax gate
    W_e = jax.random.normal(k4, (E, D_IN, D_OUT), dtype=jnp.float32) * (1.0 / np.sqrt(D_IN))
    b_e = jnp.zeros((E, D_OUT), dtype=jnp.float32)
    W_g = jax.random.normal(k5, (D_IN, E), dtype=jnp.float32) * (1.0 / np.sqrt(D_IN))
    return {"item_feat": item_feat, "item_id": item_id, "table": table, "W_e": W_e, "b_e": b_e, "W_g": W_g}

def moe_adaptor(x, W_e, b_e, W_g):
    gates = jax.nn.softmax(jnp.einsum('bld,de->ble', x, W_g), axis=-1)
    expert_out = jnp.einsum('bld,edo->bleo', x, W_e) + b_e[None, None, :, :]
    return jnp.einsum('ble,bleo->blo', gates, expert_out)

def reference(item_feat, item_id, table, W_e, b_e, W_g):
    # train_stage == 'transductive_ft', encode_feat_query=False, need_drop=False:
    # return moe_adaptor(batch[feat_name]) + item_embedding(batch[fiid])
    moe = moe_adaptor(item_feat, W_e, b_e, W_g)
    emb = jnp.take(table, item_id, axis=0)
    return moe + emb

if __name__ == "__main__":
    import jax
    _d = setup_inputs()
    print(jax.jit(kernel)(*tuple(_d.values())))

</pallas_src>

<mosaic_0001>
#map = affine_map<(d0, d1) -> (0, 0)>
module attributes {stable_mosaic.version = 14 : i64} {
  func.func @_gather_body(%arg0: i32, %arg1: i32, %arg2: memref<1000000x64xf32, #tpu.memory_space<hbm>>, %arg3: memref<32x1600xi32, #tpu.memory_space<hbm>>, %arg4: memref<51200x64xf32, #tpu.memory_space<hbm>>, %arg5: memref<1600xi32, #tpu.memory_space<vmem>>, %arg6: memref<160x64xf32, #tpu.memory_space<vmem>>, %arg7: memref<!tpu.dma_semaphore, #tpu.memory_space<semaphore_mem>>) attributes {dimension_semantics = [#tpu.dimension_semantics<core_parallel>, #tpu.dimension_semantics<subcore_parallel>], iteration_bounds = array<i64: 2, 16>, scalar_prefetch = 0 : i64, scratch_operands = 3 : i64, tpu.core_type = #tpu.core_type<sc_vector_subcore>, window_params = [{transform_indices = #map}, {transform_indices = #map}, {transform_indices = #map}]} {
    %mul3A = arith.constant 2 : i32
    %mul3A_0 = arith.muli %arg1, %mul3A : i32
    %add3A = arith.addi %mul3A_0, %arg0 : i32
    %mul3A_1 = arith.constant 1600 : i32
    %mul3A_2 = arith.muli %add3A, %mul3A_1 : i32
    "tpu.region"() ({
      %run_scoped3A = tpu.sem_alloc : memref<!tpu.dma_semaphore, #tpu.memory_space<semaphore_mem>>
      %dma_start3A = arith.constant 0 : i32
      %dma_start3A_8 = tpu.memref_slice %arg3[%add3A, %dma_start3A] : memref<32x1600xi32, #tpu.memory_space<hbm>> -> memref<1x1600xi32, #tpu.memory_space<hbm>>
      %dma_start3A_9 = tpu.memref_squeeze %dma_start3A_8 : memref<1x1600xi32, #tpu.memory_space<hbm>> -> memref<1600xi32, #tpu.memory_space<hbm>>
      %dma_start3A_10 = arith.constant 0 : i32
      %dma_start3A_11 = tpu.memref_slice %arg3[%add3A, %dma_start3A_10] : memref<32x1600xi32, #tpu.memory_space<hbm>> -> memref<1x1600xi32, #tpu.memory_space<hbm>>
      %dma_start3A_12 = tpu.memref_squeeze %dma_start3A_11 : memref<1x1600xi32, #tpu.memory_space<hbm>> -> memref<1600xi32, #tpu.memory_space<hbm>>
      tpu.enqueue_dma source(%dma_start3A_12 : memref<1600xi32, #tpu.memory_space<hbm>>) target(%arg5 : memref<1600xi32, #tpu.memory_space<vmem>>) target_semaphore(%run_scoped3A : memref<!tpu.dma_semaphore, #tpu.memory_space<semaphore_mem>>)
      %dma_wait3A = arith.constant 0 : i32
      %dma_wait3A_13 = tpu.memref_slice %arg3[%add3A, %dma_wait3A] : memref<32x1600xi32, #tpu.memory_space<hbm>> -> memref<1x1600xi32, #tpu.memory_space<hbm>>
      %dma_wait3A_14 = tpu.memref_squeeze %dma_wait3A_13 : memref<1x1600xi32, #tpu.memory_space<hbm>> -> memref<1600xi32, #tpu.memory_space<hbm>>
      %dma_wait3A_15 = arith.constant 0 : i32
      %dma_wait3A_16 = tpu.memref_slice %arg3[%add3A, %dma_wait3A_15] : memref<32x1600xi32, #tpu.memory_space<hbm>> -> memref<1x1600xi32, #tpu.memory_space<hbm>>
      %dma_wait3A_17 = tpu.memref_squeeze %dma_wait3A_16 : memref<1x1600xi32, #tpu.memory_space<hbm>> -> memref<1600xi32, #tpu.memory_space<hbm>>
      tpu.wait_dma2 semaphore(%run_scoped3A : memref<!tpu.dma_semaphore, #tpu.memory_space<semaphore_mem>>) src(%dma_wait3A_17 : memref<1600xi32, #tpu.memory_space<hbm>>) dst(%arg5 : memref<1600xi32, #tpu.memory_space<vmem>>)
      tpu.yield
    }) : () -> ()
    %iota3A = tpu.iota {dimensions = array<i32: 0>} : vector<16xi32>
    %scan3A = arith.constant 0 : i32
    %scan3A_3 = arith.constant 0 : i32
    %scan3A_4 = arith.constant 10 : i32
    %scan3A_5 = arith.addi %scan3A_3, %scan3A_4 : i32
    %scan3A_6 = arith.constant 1 : i32
    scf.for %scan3A_8 = %scan3A_3 to %scan3A_5 step %scan3A_6  : i32 {
      %scan3A_9 = arith.constant 0 : i32
      %scan3A_10 = arith.constant 0 : i32
      %scan3A_11 = arith.constant 10 : i32
      %scan3A_12 = arith.addi %scan3A_10, %scan3A_11 : i32
      %scan3A_13 = arith.constant 1 : i32
      scf.for %scan3A_18 = %scan3A_10 to %scan3A_12 step %scan3A_13  : i32 {
        %mul3A_19 = arith.constant 10 : i32
        %mul3A_20 = arith.muli %scan3A_8, %mul3A_19 : i32
        %add3A_21 = arith.addi %mul3A_20, %scan3A_18 : i32
        %mul3A_22 = arith.constant 16 : i32
        %mul3A_23 = arith.muli %add3A_21, %mul3A_22 : i32
        %get3A = arith.index_cast %mul3A_23 : i32 to index
        %get3A_24 = tpu.vector_load %arg5[%get3A] {strides = array<i32>} : memref<1600xi32, #tpu.memory_space<vmem>>, vector<16xi32>,
        %eq3A = arith.constant 0 : i32
        %eq3A_25 = vector.broadcast %eq3A : i32 to vector<16xi32>
        %eq3A_26 = arith.cmpi eq, %iota3A, %eq3A_25 : vector<16xi32>
        %jit3A = arith.constant 0 : i32
        %broadcast_in_dim3A = vector.broadcast %jit3A : i32 to vector<16xi32>
        %select_n3A = arith.select %eq3A_26, %get3A_24, %broadcast_in_dim3A : vector<16xi1>, vector<16xi32>
        %reduce_sum3A = arith.constant true
        %reduce_sum3A_27 = vector.broadcast %reduce_sum3A : i1 to vector<16xi1>
        %reduce_sum3A_28 = tpu.scan <sum>, %select_n3A masked %reduce_sum3A_27 : vector<16xi32>, vector<16xi1> -> vector<16xi32>
        %reduce_sum3A_29 = vector.extract %reduce_sum3A_28[15] : i32 from vector<16xi32>
        %mul3A_30 = arith.constant 16 : i32
        %mul3A_31 = arith.muli %scan3A_18, %mul3A_30 : i32
        %add3A_32 = arith.constant 0 : i32
        %add3A_33 = arith.addi %mul3A_31, %add3A_32 : i32
        %dma_start3A = arith.constant 0 : i32
        %dma_start3A_34 = tpu.memref_slice %arg6[%add3A_33, %dma_start3A] : memref<160x64xf32, #tpu.memory_space<vmem>> -> memref<1x64xf32, #tpu.memory_space<vmem>>
        %dma_start3A_35 = arith.constant 0 : i32
        %dma_start3A_36 = tpu.memref_slice %arg2[%reduce_sum3A_29, %dma_start3A_35] : memref<1000000x64xf32, #tpu.memory_space<hbm>> -> memref<1x64xf32, #tpu.memory_space<hbm>>
        %dma_start3A_37 = arith.constant 0 : i32
        %dma_start3A_38 = tpu.memref_slice %arg6[%add3A_33, %dma_start3A_37] : memref<160x64xf32, #tpu.memory_space<vmem>> -> memref<1x64xf32, #tpu.memory_space<vmem>>
        %dma_start3A_39 = arith.constant 0 : i32
        %dma_start3A_40 = tpu.memref_slice %arg2[%reduce_sum3A_29, %dma_start3A_39] : memref<1000000x64xf32, #tpu.memory_space<hbm>> -> memref<1x64xf32, #tpu.memory_space<hbm>>
        tpu.enqueue_dma source(%dma_start3A_40 : memref<1x64xf32, #tpu.memory_space<hbm>>) target(%dma_start3A_38 : memref<1x64xf32, #tpu.memory_space<vmem>>) target_semaphore(%arg7 : memref<!tpu.dma_semaphore, #tpu.memory_space<semaphore_mem>>)
        %eq3A_41 = arith.constant 1 : i32
        %eq3A_42 = vector.broadcast %eq3A_41 : i32 to vector<16xi32>
        %eq3A_43 = arith.cmpi eq, %iota3A, %eq3A_42 : vector<16xi32>
        %jit3A_44 = arith.constant 0 : i32
        %broadcast_in_dim3A_45 = vector.broadcast %jit3A_44 : i32 to vector<16xi32>
        %select_n3A_46 = arith.select %eq3A_43, %get3A_24, %broadcast_in_dim3A_45 : vector<16xi1>, vector<16xi32>
        %reduce_sum3A_47 = arith.constant true
        %reduce_sum3A_48 = vector.broadcast %reduce_sum3A_47 : i1 to vector<16xi1>
        %reduce_sum3A_49 = tpu.scan <sum>, %select_n3A_46 masked %reduce_sum3A_48 : vector<16xi32>, vector<16xi1> -> vector<16xi32>
        %reduce_sum3A_50 = vector.extract %reduce_sum3A_49[15] : i32 from vector<16xi32>
        %mul3A_51 = arith.constant 16 : i32
        %mul3A_52 = arith.muli %scan3A_18, %mul3A_51 : i32
        %add3A_53 = arith.constant 1 : i32
        %add3A_54 = arith.addi %mul3A_52, %add3A_53 : i32
        %dma_start3A_55 = arith.constant 0 : i32
        %dma_start3A_56 = tpu.memref_slice %arg6[%add3A_54, %dma_start3A_55] : memref<160x64xf32, #tpu.memory_space<vmem>> -> memref<1x64xf32, #tpu.memory_space<vmem>>
        %dma_start3A_57 = arith.constant 0 : i32
        %dma_start3A_58 = tpu.memref_slice %arg2[%reduce_sum3A_50, %dma_start3A_57] : memref<1000000x64xf32, #tpu.memory_space<hbm>> -> memref<1x64xf32, #tpu.memory_space<hbm>>
        %dma_start3A_59 = arith.constant 0 : i32
        %dma_start3A_60 = tpu.memref_slice %arg6[%add3A_54, %dma_start3A_59] : memref<160x64xf32, #tpu.memory_space<vmem>> -> memref<1x64xf32, #tpu.memory_space<vmem>>
        %dma_start3A_61 = arith.constant 0 : i32
        %dma_start3A_62 = tpu.memref_slice %arg2[%reduce_sum3A_50, %dma_start3A_61] : memref<1000000x64xf32, #tpu.memory_space<hbm>> -> memref<1x64xf32, #tpu.memory_space<hbm>>
        tpu.enqueue_dma source(%dma_start3A_62 : memref<1x64xf32, #tpu.memory_space<hbm>>) target(%dma_start3A_60 : memref<1x64xf32, #tpu.memory_space<vmem>>) target_semaphore(%arg7 : memref<!tpu.dma_semaphore, #tpu.memory_space<semaphore_mem>>)
        %eq3A_63 = arith.constant 2 : i32
        %eq3A_64 = vector.broadcast %eq3A_63 : i32 to vector<16xi32>
        %eq3A_65 = arith.cmpi eq, %iota3A, %eq3A_64 : vector<16xi32>
        %jit3A_66 = arith.constant 0 : i32
        %broadcast_in_dim3A_67 = vector.broadcast %jit3A_66 : i32 to vector<16xi32>
        %select_n3A_68 = arith.select %eq3A_65, %get3A_24, %broadcast_in_dim3A_67 : vector<16xi1>, vector<16xi32>
        %reduce_sum3A_69 = arith.constant true
        %reduce_sum3A_70 = vector.broadcast %reduce_sum3A_69 : i1 to vector<16xi1>
        %reduce_sum3A_71 = tpu.scan <sum>, %select_n3A_68 masked %reduce_sum3A_70 : vector<16xi32>, vector<16xi1> -> vector<16xi32>
        %reduce_sum3A_72 = vector.extract %reduce_sum3A_71[15] : i32 from vector<16xi32>
        %mul3A_73 = arith.constant 16 : i32
        %mul3A_74 = arith.muli %scan3A_18, %mul3A_73 : i32
        %add3A_75 = arith.constant 2 : i32
        %add3A_76 = arith.addi %mul3A_74, %add3A_75 : i32
        %dma_start3A_77 = arith.constant 0 : i32
        %dma_start3A_78 = tpu.memref_slice %arg6[%add3A_76, %dma_start3A_77] : memref<160x64xf32, #tpu.memory_space<vmem>> -> memref<1x64xf32, #tpu.memory_space<vmem>>
        %dma_start3A_79 = arith.constant 0 : i32
        %dma_start3A_80 = tpu.memref_slice %arg2[%reduce_sum3A_72, %dma_start3A_79] : memref<1000000x64xf32, #tpu.memory_space<hbm>> -> memref<1x64xf32, #tpu.memory_space<hbm>>
        %dma_start3A_81 = arith.constant 0 : i32
        %dma_start3A_82 = tpu.memref_slice %arg6[%add3A_76, %dma_start3A_81] : memref<160x64xf32, #tpu.memory_space<vmem>> -> memref<1x64xf32, #tpu.memory_space<vmem>>
        %dma_start3A_83 = arith.constant 0 : i32
        %dma_start3A_84 = tpu.memref_slice %arg2[%reduce_sum3A_72, %dma_start3A_83] : memref<1000000x64xf32, #tpu.memory_space<hbm>> -> memref<1x64xf32, #tpu.memory_space<hbm>>
        tpu.enqueue_dma source(%dma_start3A_84 : memref<1x64xf32, #tpu.memory_space<hbm>>) target(%dma_start3A_82 : memref<1x64xf32, #tpu.memory_space<vmem>>) target_semaphore(%arg7 : memref<!tpu.dma_semaphore, #tpu.memory_space<semaphore_mem>>)
        %eq3A_85 = arith.constant 3 : i32
        %eq3A_86 = vector.broadcast %eq3A_85 : i32 to vector<16xi32>
        %eq3A_87 = arith.cmpi eq, %iota3A, %eq3A_86 : vector<16xi32>
        %jit3A_88 = arith.constant 0 : i32
        %broadcast_in_dim3A_89 = vector.broadcast %jit3A_88 : i32 to vector<16xi32>
        %select_n3A_90 = arith.select %eq3A_87, %get3A_24, %broadcast_in_dim3A_89 : vector<16xi1>, vector<16xi32>
        %reduce_sum3A_91 = arith.constant true
        %reduce_sum3A_92 = vector.broadcast %reduce_sum3A_91 : i1 to vector<16xi1>
        %reduce_sum3A_93 = tpu.scan <sum>, %select_n3A_90 masked %reduce_sum3A_92 : vector<16xi32>, vector<16xi1> -> vector<16xi32>
        %reduce_sum3A_94 = vector.extract %reduce_sum3A_93[15] : i32 from vector<16xi32>
        %mul3A_95 = arith.constant 16 : i32
        %mul3A_96 = arith.muli %scan3A_18, %mul3A_95 : i32
        %add3A_97 = arith.constant 3 : i32
        %add3A_98 = arith.addi %mul3A_96, %add3A_97 : i32
        %dma_start3A_99 = arith.constant 0 : i32
        %dma_start3A_100 = tpu.memref_slice %arg6[%add3A_98, %dma_start3A_99] : memref<160x64xf32, #tpu.memory_space<vmem>> -> memref<1x64xf32, #tpu.memory_space<vmem>>
        %dma_start3A_101 = arith.constant 0 : i32
        %dma_start3A_102 = tpu.memref_slice %arg2[%reduce_sum3A_94, %dma_start3A_101] : memref<1000000x64xf32, #tpu.memory_space<hbm>> -> memref<1x64xf32, #tpu.memory_space<hbm>>
        %dma_start3A_103 = arith.constant 0 : i32
        %dma_start3A_104 = tpu.memref_slice %arg6[%add3A_98, %dma_start3A_103] : memref<160x64xf32, #tpu.memory_space<vmem>> -> memref<1x64xf32, #tpu.memory_space<vmem>>
        %dma_start3A_105 = arith.constant 0 : i32
        %dma_start3A_106 = tpu.memref_slice %arg2[%reduce_sum3A_94, %dma_start3A_105] : memref<1000000x64xf32, #tpu.memory_space<hbm>> -> memref<1x64xf32, #tpu.memory_space<hbm>>
        tpu.enqueue_dma source(%dma_start3A_106 : memref<1x64xf32, #tpu.memory_space<hbm>>) target(%dma_start3A_104 : memref<1x64xf32, #tpu.memory_space<vmem>>) target_semaphore(%arg7 : memref<!tpu.dma_semaphore, #tpu.memory_space<semaphore_mem>>)
        %eq3A_107 = arith.constant 4 : i32
        %eq3A_108 = vector.broadcast %eq3A_107 : i32 to vector<16xi32>
        %eq3A_109 = arith.cmpi eq, %iota3A, %eq3A_108 : vector<16xi32>
        %jit3A_110 = arith.constant 0 : i32
        %broadcast_in_dim3A_111 = vector.broadcast %jit3A_110 : i32 to vector<16xi32>
        %select_n3A_112 = arith.select %eq3A_109, %get3A_24, %broadcast_in_dim3A_111 : vector<16xi1>, vector<16xi32>
        %reduce_sum3A_113 = arith.constant true
        %reduce_sum3A_114 = vector.broadcast %reduce_sum3A_113 : i1 to vector<16xi1>
        %reduce_sum3A_115 = tpu.scan <sum>, %select_n3A_112 masked %reduce_sum3A_114 : vector<16xi32>, vector<16xi1> -> vector<16xi32>
        %reduce_sum3A_116 = vector.extract %reduce_sum3A_115[15] : i32 from vector<16xi32>
        %mul3A_117 = arith.constant 16 : i32
        %mul3A_118 = arith.muli %scan3A_18, %mul3A_117 : i32
        %add3A_119 = arith.constant 4 : i32
        %add3A_120 = arith.addi %mul3A_118, %add3A_119 : i32
        %dma_start3A_121 = arith.constant 0 : i32
        %dma_start3A_122 = tpu.memref_slice %arg6[%add3A_120, %dma_start3A_121] : memref<160x64xf32, #tpu.memory_space<vmem>> -> memref<1x64xf32, #tpu.memory_space<vmem>>
        %dma_start3A_123 = arith.constant 0 : i32
        %dma_start3A_124 = tpu.memref_slice %arg2[%reduce_sum3A_116, %dma_start3A_123] : memref<1000000x64xf32, #tpu.memory_space<hbm>> -> memref<1x64xf32, #tpu.memory_space<hbm>>
        %dma_start3A_125 = arith.constant 0 : i32
        %dma_start3A_126 = tpu.memref_slice %arg6[%add3A_120, %dma_start3A_125] : memref<160x64xf32, #tpu.memory_space<vmem>> -> memref<1x64xf32, #tpu.memory_space<vmem>>
        %dma_start3A_127 = arith.constant 0 : i32
        %dma_start3A_128 = tpu.memref_slice %arg2[%reduce_sum3A_116, %dma_start3A_127] : memref<1000000x64xf32, #tpu.memory_space<hbm>> -> memref<1x64xf32, #tpu.memory_space<hbm>>
        tpu.enqueue_dma source(%dma_start3A_128 : memref<1x64xf32, #tpu.memory_space<hbm>>) target(%dma_start3A_126 : memref<1x64xf32, #tpu.memory_space<vmem>>) target_semaphore(%arg7 : memref<!tpu.dma_semaphore, #tpu.memory_space<semaphore_mem>>)
        %eq3A_129 = arith.constant 5 : i32
        %eq3A_130 = vector.broadcast %eq3A_129 : i32 to vector<16xi32>
        %eq3A_131 = arith.cmpi eq, %iota3A, %eq3A_130 : vector<16xi32>
        %jit3A_132 = arith.constant 0 : i32
        %broadcast_in_dim3A_133 = vector.broadcast %jit3A_132 : i32 to vector<16xi32>
        %select_n3A_134 = arith.select %eq3A_131, %get3A_24, %broadcast_in_dim3A_133 : vector<16xi1>, vector<16xi32>
        %reduce_sum3A_135 = arith.constant true
        %reduce_sum3A_136 = vector.broadcast %reduce_sum3A_135 : i1 to vector<16xi1>
        %reduce_sum3A_137 = tpu.scan <sum>, %select_n3A_134 masked %reduce_sum3A_136 : vector<16xi32>, vector<16xi1> -> vector<16xi32>
        %reduce_sum3A_138 = vector.extract %reduce_sum3A_137[15] : i32 from vector<16xi32>
        %mul3A_139 = arith.constant 16 : i32
        %mul3A_140 = arith.muli %scan3A_18, %mul3A_139 : i32
        %add3A_141 = arith.constant 5 : i32
        %add3A_142 = arith.addi %mul3A_140, %add3A_141 : i32
        %dma_start3A_143 = arith.constant 0 : i32
        %dma_start3A_144 = tpu.memref_slice %arg6[%add3A_142, %dma_start3A_143] : memref<160x64xf32, #tpu.memory_space<vmem>> -> memref<1x64xf32, #tpu.memory_space<vmem>>
        %dma_start3A_145 = arith.constant 0 : i32
        %dma_start3A_146 = tpu.memref_slice %arg2[%reduce_sum3A_138, %dma_start3A_145] : memref<1000000x64xf32, #tpu.memory_space<hbm>> -> memref<1x64xf32, #tpu.memory_space<hbm>>
        %dma_start3A_147 = arith.constant 0 : i32
        %dma_start3A_148 = tpu.memref_slice %arg6[%add3A_142, %dma_start3A_147] : memref<160x64xf32, #tpu.memory_space<vmem>> -> memref<1x64xf32, #tpu.memory_space<vmem>>
        %dma_start3A_149 = arith.constant 0 : i32
        %dma_start3A_150 = tpu.memref_slice %arg2[%reduce_sum3A_138, %dma_start3A_149] : memref<1000000x64xf32, #tpu.memory_space<hbm>> -> memref<1x64xf32, #tpu.memory_space<hbm>>
        tpu.enqueue_dma source(%dma_start3A_150 : memref<1x64xf32, #tpu.memory_space<hbm>>) target(%dma_start3A_148 : memref<1x64xf32, #tpu.memory_space<vmem>>) target_semaphore(%arg7 : memref<!tpu.dma_semaphore, #tpu.memory_space<semaphore_mem>>)
        %eq3A_151 = arith.constant 6 : i32
        %eq3A_152 = vector.broadcast %eq3A_151 : i32 to vector<16xi32>
        %eq3A_153 = arith.cmpi eq, %iota3A, %eq3A_152 : vector<16xi32>
        %jit3A_154 = arith.constant 0 : i32
        %broadcast_in_dim3A_155 = vector.broadcast %jit3A_154 : i32 to vector<16xi32>
        %select_n3A_156 = arith.select %eq3A_153, %get3A_24, %broadcast_in_dim3A_155 : vector<16xi1>, vector<16xi32>
        %reduce_sum3A_157 = arith.constant true
        %reduce_sum3A_158 = vector.broadcast %reduce_sum3A_157 : i1 to vector<16xi1>
        %reduce_sum3A_159 = tpu.scan <sum>, %select_n3A_156 masked %reduce_sum3A_158 : vector<16xi32>, vector<16xi1> -> vector<16xi32>
        %reduce_sum3A_160 = vector.extract %reduce_sum3A_159[15] : i32 from vector<16xi32>
        %mul3A_161 = arith.constant 16 : i32
        %mul3A_162 = arith.muli %scan3A_18, %mul3A_161 : i32
        %add3A_163 = arith.constant 6 : i32
        %add3A_164 = arith.addi %mul3A_162, %add3A_163 : i32
        %dma_start3A_165 = arith.constant 0 : i32
        %dma_start3A_166 = tpu.memref_slice %arg6[%add3A_164, %dma_start3A_165] : memref<160x64xf32, #tpu.memory_space<vmem>> -> memref<1x64xf32, #tpu.memory_space<vmem>>
        %dma_start3A_167 = arith.constant 0 : i32
        %dma_start3A_168 = tpu.memref_slice %arg2[%reduce_sum3A_160, %dma_start3A_167] : memref<1000000x64xf32, #tpu.memory_space<hbm>> -> memref<1x64xf32, #tpu.memory_space<hbm>>
        %dma_start3A_169 = arith.constant 0 : i32
        %dma_start3A_170 = tpu.memref_slice %arg6[%add3A_164, %dma_start3A_169] : memref<160x64xf32, #tpu.memory_space<vmem>> -> memref<1x64xf32, #tpu.memory_space<vmem>>
        %dma_start3A_171 = arith.constant 0 : i32
        %dma_start3A_172 = tpu.memref_slice %arg2[%reduce_sum3A_160, %dma_start3A_171] : memref<1000000x64xf32, #tpu.memory_space<hbm>> -> memref<1x64xf32, #tpu.memory_space<hbm>>
        tpu.enqueue_dma source(%dma_start3A_172 : memref<1x64xf32, #tpu.memory_space<hbm>>) target(%dma_start3A_170 : memref<1x64xf32, #tpu.memory_space<vmem>>) target_semaphore(%arg7 : memref<!tpu.dma_semaphore, #tpu.memory_space<semaphore_mem>>)
        %eq3A_173 = arith.constant 7 : i32
        %eq3A_174 = vector.broadcast %eq3A_173 : i32 to vector<16xi32>
        %eq3A_175 = arith.cmpi eq, %iota3A, %eq3A_174 : vector<16xi32>
        %jit3A_176 = arith.constant 0 : i32
        %broadcast_in_dim3A_177 = vector.broadcast %jit3A_176 : i32 to vector<16xi32>
        %select_n3A_178 = arith.select %eq3A_175, %get3A_24, %broadcast_in_dim3A_177 : vector<16xi1>, vector<16xi32>
        %reduce_sum3A_179 = arith.constant true
        %reduce_sum3A_180 = vector.broadcast %reduce_sum3A_179 : i1 to vector<16xi1>
        %reduce_sum3A_181 = tpu.scan <sum>, %select_n3A_178 masked %reduce_sum3A_180 : vector<16xi32>, vector<16xi1> -> vector<16xi32>
        %reduce_sum3A_182 = vector.extract %reduce_sum3A_181[15] : i32 from vector<16xi32>
        %mul3A_183 = arith.constant 16 : i32
        %mul3A_184 = arith.muli %scan3A_18, %mul3A_183 : i32
        %add3A_185 = arith.constant 7 : i32
        %add3A_186 = arith.addi %mul3A_184, %add3A_185 : i32
        %dma_start3A_187 = arith.constant 0 : i32
        %dma_start3A_188 = tpu.memref_slice %arg6[%add3A_186, %dma_start3A_187] : memref<160x64xf32, #tpu.memory_space<vmem>> -> memref<1x64xf32, #tpu.memory_space<vmem>>
        %dma_start3A_189 = arith.constant 0 : i32
        %dma_start3A_190 = tpu.memref_slice %arg2[%reduce_sum3A_182, %dma_start3A_189] : memref<1000000x64xf32, #tpu.memory_space<hbm>> -> memref<1x64xf32, #tpu.memory_space<hbm>>
        %dma_start3A_191 = arith.constant 0 : i32
        %dma_start3A_192 = tpu.memref_slice %arg6[%add3A_186, %dma_start3A_191] : memref<160x64xf32, #tpu.memory_space<vmem>> -> memref<1x64xf32, #tpu.memory_space<vmem>>
        %dma_start3A_193 = arith.constant 0 : i32
        %dma_start3A_194 = tpu.memref_slice %arg2[%reduce_sum3A_182, %dma_start3A_193] : memref<1000000x64xf32, #tpu.memory_space<hbm>> -> memref<1x64xf32, #tpu.memory_space<hbm>>
        tpu.enqueue_dma source(%dma_start3A_194 : memref<1x64xf32, #tpu.memory_space<hbm>>) target(%dma_start3A_192 : memref<1x64xf32, #tpu.memory_space<vmem>>) target_semaphore(%arg7 : memref<!tpu.dma_semaphore, #tpu.memory_space<semaphore_mem>>)
        %eq3A_195 = arith.constant 8 : i32
        %eq3A_196 = vector.broadcast %eq3A_195 : i32 to vector<16xi32>
        %eq3A_197 = arith.cmpi eq, %iota3A, %eq3A_196 : vector<16xi32>
        %jit3A_198 = arith.constant 0 : i32
        %broadcast_in_dim3A_199 = vector.broadcast %jit3A_198 : i32 to vector<16xi32>
        %select_n3A_200 = arith.select %eq3A_197, %get3A_24, %broadcast_in_dim3A_199 : vector<16xi1>, vector<16xi32>
        %reduce_sum3A_201 = arith.constant true
        %reduce_sum3A_202 = vector.broadcast %reduce_sum3A_201 : i1 to vector<16xi1>
        %reduce_sum3A_203 = tpu.scan <sum>, %select_n3A_200 masked %reduce_sum3A_202 : vector<16xi32>, vector<16xi1> -> vector<16xi32>
        %reduce_sum3A_204 = vector.extract %reduce_sum3A_203[15] : i32 from vector<16xi32>
        %mul3A_205 = arith.constant 16 : i32
        %mul3A_206 = arith.muli %scan3A_18, %mul3A_205 : i32
        %add3A_207 = arith.constant 8 : i32
        %add3A_208 = arith.addi %mul3A_206, %add3A_207 : i32
        %dma_start3A_209 = arith.constant 0 : i32
        %dma_start3A_210 = tpu.memref_slice %arg6[%add3A_208, %dma_start3A_209] : memref<160x64xf32, #tpu.memory_space<vmem>> -> memref<1x64xf32, #tpu.memory_space<vmem>>
        %dma_start3A_211 = arith.constant 0 : i32
        %dma_start3A_212 = tpu.memref_slice %arg2[%reduce_sum3A_204, %dma_start3A_211] : memref<1000000x64xf32, #tpu.memory_space<hbm>> -> memref<1x64xf32, #tpu.memory_space<hbm>>
        %dma_start3A_213 = arith.constant 0 : i32
        %dma_start3A_214 = tpu.memref_slice %arg6[%add3A_208, %dma_start3A_213] : memref<160x64xf32, #tpu.memory_space<vmem>> -> memref<1x64xf32, #tpu.memory_space<vmem>>
        %dma_start3A_215 = arith.constant 0 : i32
        %dma_start3A_216 = tpu.memref_slice %arg2[%reduce_sum3A_204, %dma_start3A_215] : memref<1000000x64xf32, #tpu.memory_space<hbm>> -> memref<1x64xf32, #tpu.memory_space<hbm>>
        tpu.enqueue_dma source(%dma_start3A_216 : memref<1x64xf32, #tpu.memory_space<hbm>>) target(%dma_start3A_214 : memref<1x64xf32, #tpu.memory_space<vmem>>) target_semaphore(%arg7 : memref<!tpu.dma_semaphore, #tpu.memory_space<semaphore_mem>>)
        %eq3A_217 = arith.constant 9 : i32
        %eq3A_218 = vector.broadcast %eq3A_217 : i32 to vector<16xi32>
        %eq3A_219 = arith.cmpi eq, %iota3A, %eq3A_218 : vector<16xi32>
        %jit3A_220 = arith.constant 0 : i32
        %broadcast_in_dim3A_221 = vector.broadcast %jit3A_220 : i32 to vector<16xi32>
        %select_n3A_222 = arith.select %eq3A_219, %get3A_24, %broadcast_in_dim3A_221 : vector<16xi1>, vector<16xi32>
        %reduce_sum3A_223 = arith.constant true
        %reduce_sum3A_224 = vector.broadcast %reduce_sum3A_223 : i1 to vector<16xi1>
        %reduce_sum3A_225 = tpu.scan <sum>, %select_n3A_222 masked %reduce_sum3A_224 : vector<16xi32>, vector<16xi1> -> vector<16xi32>
        %reduce_sum3A_226 = vector.extract %reduce_sum3A_225[15] : i32 from vector<16xi32>
        %mul3A_227 = arith.constant 16 : i32
        %mul3A_228 = arith.muli %scan3A_18, %mul3A_227 : i32
        %add3A_229 = arith.constant 9 : i32
        %add3A_230 = arith.addi %mul3A_228, %add3A_229 : i32
        %dma_start3A_231 = arith.constant 0 : i32
        %dma_start3A_232 = tpu.memref_slice %arg6[%add3A_230, %dma_start3A_231] : memref<160x64xf32, #tpu.memory_space<vmem>> -> memref<1x64xf32, #tpu.memory_space<vmem>>
        %dma_start3A_233 = arith.constant 0 : i32
        %dma_start3A_234 = tpu.memref_slice %arg2[%reduce_sum3A_226, %dma_start3A_233] : memref<1000000x64xf32, #tpu.memory_space<hbm>> -> memref<1x64xf32, #tpu.memory_space<hbm>>
        %dma_start3A_235 = arith.constant 0 : i32
        %dma_start3A_236 = tpu.memref_slice %arg6[%add3A_230, %dma_start3A_235] : memref<160x64xf32, #tpu.memory_space<vmem>> -> memref<1x64xf32, #tpu.memory_space<vmem>>
        %dma_start3A_237 = arith.constant 0 : i32
        %dma_start3A_238 = tpu.memref_slice %arg2[%reduce_sum3A_226, %dma_start3A_237] : memref<1000000x64xf32, #tpu.memory_space<hbm>> -> memref<1x64xf32, #tpu.memory_space<hbm>>
        tpu.enqueue_dma source(%dma_start3A_238 : memref<1x64xf32, #tpu.memory_space<hbm>>) target(%dma_start3A_236 : memref<1x64xf32, #tpu.memory_space<vmem>>) target_semaphore(%arg7 : memref<!tpu.dma_semaphore, #tpu.memory_space<semaphore_mem>>)
        %eq3A_239 = arith.constant 10 : i32
        %eq3A_240 = vector.broadcast %eq3A_239 : i32 to vector<16xi32>
        %eq3A_241 = arith.cmpi eq, %iota3A, %eq3A_240 : vector<16xi32>
        %jit3A_242 = arith.constant 0 : i32
        %broadcast_in_dim3A_243 = vector.broadcast %jit3A_242 : i32 to vector<16xi32>
        %select_n3A_244 = arith.select %eq3A_241, %get3A_24, %broadcast_in_dim3A_243 : vector<16xi1>, vector<16xi32>
        %reduce_sum3A_245 = arith.constant true
        %reduce_sum3A_246 = vector.broadcast %reduce_sum3A_245 : i1 to vector<16xi1>
        %reduce_sum3A_247 = tpu.scan <sum>, %select_n3A_244 masked %reduce_sum3A_246 : vector<16xi32>, vector<16xi1> -> vector<16xi32>
        %reduce_sum3A_248 = vector.extract %reduce_sum3A_247[15] : i32 from vector<16xi32>
        %mul3A_249 = arith.constant 16 : i32
        %mul3A_250 = arith.muli %scan3A_18, %mul3A_249 : i32
        %add3A_251 = arith.constant 10 : i32
        %add3A_252 = arith.addi %mul3A_250, %add3A_251 : i32
        %dma_start3A_253 = arith.constant 0 : i32
        %dma_start3A_254 = tpu.memref_slice %arg6[%add3A_252, %dma_start3A_253] : memref<160x64xf32, #tpu.memory_space<vmem>> -> memref<1x64xf32, #tpu.memory_space<vmem>>
        %dma_start3A_255 = arith.constant 0 : i32
        %dma_start3A_256 = tpu.memref_slice %arg2[%reduce_sum3A_248, %dma_start3A_255] : memref<1000000x64xf32, #tpu.memory_space<hbm>> -> memref<1x64xf32, #tpu.memory_space<hbm>>
        %dma_start3A_257 = arith.constant 0 : i32
        %dma_start3A_258 = tpu.memref_slice %arg6[%add3A_252, %dma_start3A_257] : memref<160x64xf32, #tpu.memory_space<vmem>> -> memref<1x64xf32, #tpu.memory_space<vmem>>
        %dma_start3A_259 = arith.constant 0 : i32
        %dma_start3A_260 = tpu.memref_slice %arg2[%reduce_sum3A_248, %dma_start3A_259] : memref<1000000x64xf32, #tpu.memory_space<hbm>> -> memref<1x64xf32, #tpu.memory_space<hbm>>
        tpu.enqueue_dma source(%dma_start3A_260 : memref<1x64xf32, #tpu.memory_space<hbm>>) target(%dma_start3A_258 : memref<1x64xf32, #tpu.memory_space<vmem>>) target_semaphore(%arg7 : memref<!tpu.dma_semaphore, #tpu.memory_space<semaphore_mem>>)
        %eq3A_261 = arith.constant 11 : i32
        %eq3A_262 = vector.broadcast %eq3A_261 : i32 to vector<16xi32>
        %eq3A_263 = arith.cmpi eq, %iota3A, %eq3A_262 : vector<16xi32>
        %jit3A_264 = arith.constant 0 : i32
        %broadcast_in_dim3A_265 = vector.broadcast %jit3A_264 : i32 to vector<16xi32>
        %select_n3A_266 = arith.select %eq3A_263, %get3A_24, %broadcast_in_dim3A_265 : vector<16xi1>, vector<16xi32>
        %reduce_sum3A_267 = arith.constant true
        %reduce_sum3A_268 = vector.broadcast %reduce_sum3A_267 : i1 to vector<16xi1>
        %reduce_sum3A_269 = tpu.scan <sum>, %select_n3A_266 masked %reduce_sum3A_268 : vector<16xi32>, vector<16xi1> -> vector<16xi32>
        %reduce_sum3A_270 = vector.extract %reduce_sum3A_269[15] : i32 from vector<16xi32>
        %mul3A_271 = arith.constant 16 : i32
        %mul3A_272 = arith.muli %scan3A_18, %mul3A_271 : i32
        %add3A_273 = arith.constant 11 : i32
        %add3A_274 = arith.addi %mul3A_272, %add3A_273 : i32
        %dma_start3A_275 = arith.constant 0 : i32
        %dma_start3A_276 = tpu.memref_slice %arg6[%add3A_274, %dma_start3A_275] : memref<160x64xf32, #tpu.memory_space<vmem>> -> memref<1x64xf32, #tpu.memory_space<vmem>>
        %dma_start3A_277 = arith.constant 0 : i32
        %dma_start3A_278 = tpu.memref_slice %arg2[%reduce_sum3A_270, %dma_start3A_277] : memref<1000000x64xf32, #tpu.memory_space<hbm>> -> memref<1x64xf32, #tpu.memory_space<hbm>>
        %dma_start3A_279 = arith.constant 0 : i32
        %dma_start3A_280 = tpu.memref_slice %arg6[%add3A_274, %dma_start3A_279] : memref<160x64xf32, #tpu.memory_space<vmem>> -> memref<1x64xf32, #tpu.memory_space<vmem>>
        %dma_start3A_281 = arith.constant 0 : i32
        %dma_start3A_282 = tpu.memref_slice %arg2[%reduce_sum3A_270, %dma_start3A_281] : memref<1000000x64xf32, #tpu.memory_space<hbm>> -> memref<1x64xf32, #tpu.memory_space<hbm>>
        tpu.enqueue_dma source(%dma_start3A_282 : memref<1x64xf32, #tpu.memory_space<hbm>>) target(%dma_start3A_280 : memref<1x64xf32, #tpu.memory_space<vmem>>) target_semaphore(%arg7 : memref<!tpu.dma_semaphore, #tpu.memory_space<semaphore_mem>>)
        %eq3A_283 = arith.constant 12 : i32
        %eq3A_284 = vector.broadcast %eq3A_283 : i32 to vector<16xi32>
        %eq3A_285 = arith.cmpi eq, %iota3A, %eq3A_284 : vector<16xi32>
        %jit3A_286 = arith.constant 0 : i32
        %broadcast_in_dim3A_287 = vector.broadcast %jit3A_286 : i32 to vector<16xi32>
        %select_n3A_288 = arith.select %eq3A_285, %get3A_24, %broadcast_in_dim3A_287 : vector<16xi1>, vector<16xi32>
        %reduce_sum3A_289 = arith.constant true
        %reduce_sum3A_290 = vector.broadcast %reduce_sum3A_289 : i1 to vector<16xi1>
        %reduce_sum3A_291 = tpu.scan <sum>, %select_n3A_288 masked %reduce_sum3A_290 : vector<16xi32>, vector<16xi1> -> vector<16xi32>
        %reduce_sum3A_292 = vector.extract %reduce_sum3A_291[15] : i32 from vector<16xi32>
        %mul3A_293 = arith.constant 16 : i32
        %mul3A_294 = arith.muli %scan3A_18, %mul3A_293 : i32
        %add3A_295 = arith.constant 12 : i32
        %add3A_296 = arith.addi %mul3A_294, %add3A_295 : i32
        %dma_start3A_297 = arith.constant 0 : i32
        %dma_start3A_298 = tpu.memref_slice %arg6[%add3A_296, %dma_start3A_297] : memref<160x64xf32, #tpu.memory_space<vmem>> -> memref<1x64xf32, #tpu.memory_space<vmem>>
        %dma_start3A_299 = arith.constant 0 : i32
        %dma_start3A_300 = tpu.memref_slice %arg2[%reduce_sum3A_292, %dma_start3A_299] : memref<1000000x64xf32, #tpu.memory_space<hbm>> -> memref<1x64xf32, #tpu.memory_space<hbm>>
        %dma_start3A_301 = arith.constant 0 : i32
        %dma_start3A_302 = tpu.memref_slice %arg6[%add3A_296, %dma_start3A_301] : memref<160x64xf32, #tpu.memory_space<vmem>> -> memref<1x64xf32, #tpu.memory_space<vmem>>
        %dma_start3A_303 = arith.constant 0 : i32
        %dma_start3A_304 = tpu.memref_slice %arg2[%reduce_sum3A_292, %dma_start3A_303] : memref<1000000x64xf32, #tpu.memory_space<hbm>> -> memref<1x64xf32, #tpu.memory_space<hbm>>
        tpu.enqueue_dma source(%dma_start3A_304 : memref<1x64xf32, #tpu.memory_space<hbm>>) target(%dma_start3A_302 : memref<1x64xf32, #tpu.memory_space<vmem>>) target_semaphore(%arg7 : memref<!tpu.dma_semaphore, #tpu.memory_space<semaphore_mem>>)
        %eq3A_305 = arith.constant 13 : i32
        %eq3A_306 = vector.broadcast %eq3A_305 : i32 to vector<16xi32>
        %eq3A_307 = arith.cmpi eq, %iota3A, %eq3A_306 : vector<16xi32>
        %jit3A_308 = arith.constant 0 : i32
        %broadcast_in_dim3A_309 = vector.broadcast %jit3A_308 : i32 to vector<16xi32>
        %select_n3A_310 = arith.select %eq3A_307, %get3A_24, %broadcast_in_dim3A_309 : vector<16xi1>, vector<16xi32>
        %reduce_sum3A_311 = arith.constant true
        %reduce_sum3A_312 = vector.broadcast %reduce_sum3A_311 : i1 to vector<16xi1>
        %reduce_sum3A_313 = tpu.scan <sum>, %select_n3A_310 masked %reduce_sum3A_312 : vector<16xi32>, vector<16xi1> -> vector<16xi32>
        %reduce_sum3A_314 = vector.extract %reduce_sum3A_313[15] : i32 from vector<16xi32>
        %mul3A_315 = arith.constant 16 : i32
        %mul3A_316 = arith.muli %scan3A_18, %mul3A_315 : i32
        %add3A_317 = arith.constant 13 : i32
        %add3A_318 = arith.addi %mul3A_316, %add3A_317 : i32
        %dma_start3A_319 = arith.constant 0 : i32
        %dma_start3A_320 = tpu.memref_slice %arg6[%add3A_318, %dma_start3A_319] : memref<160x64xf32, #tpu.memory_space<vmem>> -> memref<1x64xf32, #tpu.memory_space<vmem>>
        %dma_start3A_321 = arith.constant 0 : i32
        %dma_start3A_322 = tpu.memref_slice %arg2[%reduce_sum3A_314, %dma_start3A_321] : memref<1000000x64xf32, #tpu.memory_space<hbm>> -> memref<1x64xf32, #tpu.memory_space<hbm>>
        %dma_start3A_323 = arith.constant 0 : i32
        %dma_start3A_324 = tpu.memref_slice %arg6[%add3A_318, %dma_start3A_323] : memref<160x64xf32, #tpu.memory_space<vmem>> -> memref<1x64xf32, #tpu.memory_space<vmem>>
        %dma_start3A_325 = arith.constant 0 : i32
        %dma_start3A_326 = tpu.memref_slice %arg2[%reduce_sum3A_314, %dma_start3A_325] : memref<1000000x64xf32, #tpu.memory_space<hbm>> -> memref<1x64xf32, #tpu.memory_space<hbm>>
        tpu.enqueue_dma source(%dma_start3A_326 : memref<1x64xf32, #tpu.memory_space<hbm>>) target(%dma_start3A_324 : memref<1x64xf32, #tpu.memory_space<vmem>>) target_semaphore(%arg7 : memref<!tpu.dma_semaphore, #tpu.memory_space<semaphore_mem>>)
        %eq3A_327 = arith.constant 14 : i32
        %eq3A_328 = vector.broadcast %eq3A_327 : i32 to vector<16xi32>
        %eq3A_329 = arith.cmpi eq, %iota3A, %eq3A_328 : vector<16xi32>
        %jit3A_330 = arith.constant 0 : i32
        %broadcast_in_dim3A_331 = vector.broadcast %jit3A_330 : i32 to vector<16xi32>
        %select_n3A_332 = arith.select %eq3A_329, %get3A_24, %broadcast_in_dim3A_331 : vector<16xi1>, vector<16xi32>
        %reduce_sum3A_333 = arith.constant true
        %reduce_sum3A_334 = vector.broadcast %reduce_sum3A_333 : i1 to vector<16xi1>
        %reduce_sum3A_335 = tpu.scan <sum>, %select_n3A_332 masked %reduce_sum3A_334 : vector<16xi32>, vector<16xi1> -> vector<16xi32>
        %reduce_sum3A_336 = vector.extract %reduce_sum3A_335[15] : i32 from vector<16xi32>
        %mul3A_337 = arith.constant 16 : i32
        %mul3A_338 = arith.muli %scan3A_18, %mul3A_337 : i32
        %add3A_339 = arith.constant 14 : i32
        %add3A_340 = arith.addi %mul3A_338, %add3A_339 : i32
        %dma_start3A_341 = arith.constant 0 : i32
        %dma_start3A_342 = tpu.memref_slice %arg6[%add3A_340, %dma_start3A_341] : memref<160x64xf32, #tpu.memory_space<vmem>> -> memref<1x64xf32, #tpu.memory_space<vmem>>
        %dma_start3A_343 = arith.constant 0 : i32
        %dma_start3A_344 = tpu.memref_slice %arg2[%reduce_sum3A_336, %dma_start3A_343] : memref<1000000x64xf32, #tpu.memory_space<hbm>> -> memref<1x64xf32, #tpu.memory_space<hbm>>
        %dma_start3A_345 = arith.constant 0 : i32
        %dma_start3A_346 = tpu.memref_slice %arg6[%add3A_340, %dma_start3A_345] : memref<160x64xf32, #tpu.memory_space<vmem>> -> memref<1x64xf32, #tpu.memory_space<vmem>>
        %dma_start3A_347 = arith.constant 0 : i32
        %dma_start3A_348 = tpu.memref_slice %arg2[%reduce_sum3A_336, %dma_start3A_347] : memref<1000000x64xf32, #tpu.memory_space<hbm>> -> memref<1x64xf32, #tpu.memory_space<hbm>>
        tpu.enqueue_dma source(%dma_start3A_348 : memref<1x64xf32, #tpu.memory_space<hbm>>) target(%dma_start3A_346 : memref<1x64xf32, #tpu.memory_space<vmem>>) target_semaphore(%arg7 : memref<!tpu.dma_semaphore, #tpu.memory_space<semaphore_mem>>)
        %eq3A_349 = arith.constant 15 : i32
        %eq3A_350 = vector.broadcast %eq3A_349 : i32 to vector<16xi32>
        %eq3A_351 = arith.cmpi eq, %iota3A, %eq3A_350 : vector<16xi32>
        %jit3A_352 = arith.constant 0 : i32
        %broadcast_in_dim3A_353 = vector.broadcast %jit3A_352 : i32 to vector<16xi32>
        %select_n3A_354 = arith.select %eq3A_351, %get3A_24, %broadcast_in_dim3A_353 : vector<16xi1>, vector<16xi32>
        %reduce_sum3A_355 = arith.constant true
        %reduce_sum3A_356 = vector.broadcast %reduce_sum3A_355 : i1 to vector<16xi1>
        %reduce_sum3A_357 = tpu.scan <sum>, %select_n3A_354 masked %reduce_sum3A_356 : vector<16xi32>, vector<16xi1> -> vector<16xi32>
        %reduce_sum3A_358 = vector.extract %reduce_sum3A_357[15] : i32 from vector<16xi32>
        %mul3A_359 = arith.constant 16 : i32
        %mul3A_360 = arith.muli %scan3A_18, %mul3A_359 : i32
        %add3A_361 = arith.constant 15 : i32
        %add3A_362 = arith.addi %mul3A_360, %add3A_361 : i32
        %dma_start3A_363 = arith.constant 0 : i32
        %dma_start3A_364 = tpu.memref_slice %arg6[%add3A_362, %dma_start3A_363] : memref<160x64xf32, #tpu.memory_space<vmem>> -> memref<1x64xf32, #tpu.memory_space<vmem>>
        %dma_start3A_365 = arith.constant 0 : i32
        %dma_start3A_366 = tpu.memref_slice %arg2[%reduce_sum3A_358, %dma_start3A_365] : memref<1000000x64xf32, #tpu.memory_space<hbm>> -> memref<1x64xf32, #tpu.memory_space<hbm>>
        %dma_start3A_367 = arith.constant 0 : i32
        %dma_start3A_368 = tpu.memref_slice %arg6[%add3A_362, %dma_start3A_367] : memref<160x64xf32, #tpu.memory_space<vmem>> -> memref<1x64xf32, #tpu.memory_space<vmem>>
        %dma_start3A_369 = arith.constant 0 : i32
        %dma_start3A_370 = tpu.memref_slice %arg2[%reduce_sum3A_358, %dma_start3A_369] : memref<1000000x64xf32, #tpu.memory_space<hbm>> -> memref<1x64xf32, #tpu.memory_space<hbm>>
        tpu.enqueue_dma source(%dma_start3A_370 : memref<1x64xf32, #tpu.memory_space<hbm>>) target(%dma_start3A_368 : memref<1x64xf32, #tpu.memory_space<vmem>>) target_semaphore(%arg7 : memref<!tpu.dma_semaphore, #tpu.memory_space<semaphore_mem>>)
        %dma_wait3A = arith.constant 0 : i32
        %dma_wait3A_371 = tpu.memref_slice %arg6[%add3A_33, %dma_wait3A] : memref<160x64xf32, #tpu.memory_space<vmem>> -> memref<1x64xf32, #tpu.memory_space<vmem>>
        %dma_wait3A_372 = arith.constant 0 : i32
        %dma_wait3A_373 = tpu.memref_slice %arg2[%reduce_sum3A_29, %dma_wait3A_372] : memref<1000000x64xf32, #tpu.memory_space<hbm>> -> memref<1x64xf32, #tpu.memory_space<hbm>>
        %dma_wait3A_374 = arith.constant 0 : i32
        %dma_wait3A_375 = tpu.memref_slice %arg6[%add3A_33, %dma_wait3A_374] : memref<160x64xf32, #tpu.memory_space<vmem>> -> memref<1x64xf32, #tpu.memory_space<vmem>>
        %dma_wait3A_376 = arith.constant 0 : i32
        %dma_wait3A_377 = tpu.memref_slice %arg2[%reduce_sum3A_29, %dma_wait3A_376] : memref<1000000x64xf32, #tpu.memory_space<hbm>> -> memref<1x64xf32, #tpu.memory_space<hbm>>
        tpu.wait_dma2 semaphore(%arg7 : memref<!tpu.dma_semaphore, #tpu.memory_space<semaphore_mem>>) src(%dma_wait3A_377 : memref<1x64xf32, #tpu.memory_space<hbm>>) dst(%dma_wait3A_375 : memref<1x64xf32, #tpu.memory_space<vmem>>)
        %dma_wait3A_378 = arith.constant 0 : i32
        %dma_wait3A_379 = tpu.memref_slice %arg6[%add3A_54, %dma_wait3A_378] : memref<160x64xf32, #tpu.memory_space<vmem>> -> memref<1x64xf32, #tpu.memory_space<vmem>>
        %dma_wait3A_380 = arith.constant 0 : i32
        %dma_wait3A_381 = tpu.memref_slice %arg2[%reduce_sum3A_50, %dma_wait3A_380] : memref<1000000x64xf32, #tpu.memory_space<hbm>> -> memref<1x64xf32, #tpu.memory_space<hbm>>
        %dma_wait3A_382 = arith.constant 0 : i32
        %dma_wait3A_383 = tpu.memref_slice %arg6[%add3A_54, %dma_wait3A_382] : memref<160x64xf32, #tpu.memory_space<vmem>> -> memref<1x64xf32, #tpu.memory_space<vmem>>
        %dma_wait3A_384 = arith.constant 0 : i32
        %dma_wait3A_385 = tpu.memref_slice %arg2[%reduce_sum3A_50, %dma_wait3A_384] : memref<1000000x64xf32, #tpu.memory_space<hbm>> -> memref<1x64xf32, #tpu.memory_space<hbm>>
        tpu.wait_dma2 semaphore(%arg7 : memref<!tpu.dma_semaphore, #tpu.memory_space<semaphore_mem>>) src(%dma_wait3A_385 : memref<1x64xf32, #tpu.memory_space<hbm>>) dst(%dma_wait3A_383 : memref<1x64xf32, #tpu.memory_space<vmem>>)
        %dma_wait3A_386 = arith.constant 0 : i32
        %dma_wait3A_387 = tpu.memref_slice %arg6[%add3A_76, %dma_wait3A_386] : memref<160x64xf32, #tpu.memory_space<vmem>> -> memref<1x64xf32, #tpu.memory_space<vmem>>
        %dma_wait3A_388 = arith.constant 0 : i32
        %dma_wait3A_389 = tpu.memref_slice %arg2[%reduce_sum3A_72, %dma_wait3A_388] : memref<1000000x64xf32, #tpu.memory_space<hbm>> -> memref<1x64xf32, #tpu.memory_space<hbm>>
        %dma_wait3A_390 = arith.constant 0 : i32
        %dma_wait3A_391 = tpu.memref_slice %arg6[%add3A_76, %dma_wait3A_390] : memref<160x64xf32, #tpu.memory_space<vmem>> -> memref<1x64xf32, #tpu.memory_space<vmem>>
        %dma_wait3A_392 = arith.constant 0 : i32
        %dma_wait3A_393 = tpu.memref_slice %arg2[%reduce_sum3A_72, %dma_wait3A_392] : memref<1000000x64xf32, #tpu.memory_space<hbm>> -> memref<1x64xf32, #tpu.memory_space<hbm>>
        tpu.wait_dma2 semaphore(%arg7 : memref<!tpu.dma_semaphore, #tpu.memory_space<semaphore_mem>>) src(%dma_wait3A_393 : memref<1x64xf32, #tpu.memory_space<hbm>>) dst(%dma_wait3A_391 : memref<1x64xf32, #tpu.memory_space<vmem>>)
        %dma_wait3A_394 = arith.constant 0 : i32
        %dma_wait3A_395 = tpu.memref_slice %arg6[%add3A_98, %dma_wait3A_394] : memref<160x64xf32, #tpu.memory_space<vmem>> -> memref<1x64xf32, #tpu.memory_space<vmem>>
        %dma_wait3A_396 = arith.constant 0 : i32
        %dma_wait3A_397 = tpu.memref_slice %arg2[%reduce_sum3A_94, %dma_wait3A_396] : memref<1000000x64xf32, #tpu.memory_space<hbm>> -> memref<1x64xf32, #tpu.memory_space<hbm>>
        %dma_wait3A_398 = arith.constant 0 : i32
        %dma_wait3A_399 = tpu.memref_slice %arg6[%add3A_98, %dma_wait3A_398] : memref<160x64xf32, #tpu.memory_space<vmem>> -> memref<1x64xf32, #tpu.memory_space<vmem>>
        %dma_wait3A_400 = arith.constant 0 : i32
        %dma_wait3A_401 = tpu.memref_slice %arg2[%reduce_sum3A_94, %dma_wait3A_400] : memref<1000000x64xf32, #tpu.memory_space<hbm>> -> memref<1x64xf32, #tpu.memory_space<hbm>>
        tpu.wait_dma2 semaphore(%arg7 : memref<!tpu.dma_semaphore, #tpu.memory_space<semaphore_mem>>) src(%dma_wait3A_401 : memref<1x64xf32, #tpu.memory_space<hbm>>) dst(%dma_wait3A_399 : memref<1x64xf32, #tpu.memory_space<vmem>>)
        %dma_wait3A_402 = arith.constant 0 : i32
        %dma_wait3A_403 = tpu.memref_slice %arg6[%add3A_120, %dma_wait3A_402] : memref<160x64xf32, #tpu.memory_space<vmem>> -> memref<1x64xf32, #tpu.memory_space<vmem>>
        %dma_wait3A_404 = arith.constant 0 : i32
        %dma_wait3A_405 = tpu.memref_slice %arg2[%reduce_sum3A_116, %dma_wait3A_404] : memref<1000000x64xf32, #tpu.memory_space<hbm>> -> memref<1x64xf32, #tpu.memory_space<hbm>>
        %dma_wait3A_406 = arith.constant 0 : i32
        %dma_wait3A_407 = tpu.memref_slice %arg6[%add3A_120, %dma_wait3A_406] : memref<160x64xf32, #tpu.memory_space<vmem>> -> memref<1x64xf32, #tpu.memory_space<vmem>>
        %dma_wait3A_408 = arith.constant 0 : i32
        %dma_wait3A_409 = tpu.memref_slice %arg2[%reduce_sum3A_116, %dma_wait3A_408] : memref<1000000x64xf32, #tpu.memory_space<hbm>> -> memref<1x64xf32, #tpu.memory_space<hbm>>
        tpu.wait_dma2 semaphore(%arg7 : memref<!tpu.dma_semaphore, #tpu.memory_space<semaphore_mem>>) src(%dma_wait3A_409 : memref<1x64xf32, #tpu.memory_space<hbm>>) dst(%dma_wait3A_407 : memref<1x64xf32, #tpu.memory_space<vmem>>)
        %dma_wait3A_410 = arith.constant 0 : i32
        %dma_wait3A_411 = tpu.memref_slice %arg6[%add3A_142, %dma_wait3A_410] : memref<160x64xf32, #tpu.memory_space<vmem>> -> memref<1x64xf32, #tpu.memory_space<vmem>>
        %dma_wait3A_412 = arith.constant 0 : i32
        %dma_wait3A_413 = tpu.memref_slice %arg2[%reduce_sum3A_138, %dma_wait3A_412] : memref<1000000x64xf32, #tpu.memory_space<hbm>> -> memref<1x64xf32, #tpu.memory_space<hbm>>
        %dma_wait3A_414 = arith.constant 0 : i32
        %dma_wait3A_415 = tpu.memref_slice %arg6[%add3A_142, %dma_wait3A_414] : memref<160x64xf32, #tpu.memory_space<vmem>> -> memref<1x64xf32, #tpu.memory_space<vmem>>
        %dma_wait3A_416 = arith.constant 0 : i32
        %dma_wait3A_417 = tpu.memref_slice %arg2[%reduce_sum3A_138, %dma_wait3A_416] : memref<1000000x64xf32, #tpu.memory_space<hbm>> -> memref<1x64xf32, #tpu.memory_space<hbm>>
        tpu.wait_dma2 semaphore(%arg7 : memref<!tpu.dma_semaphore, #tpu.memory_space<semaphore_mem>>) src(%dma_wait3A_417 : memref<1x64xf32, #tpu.memory_space<hbm>>) dst(%dma_wait3A_415 : memref<1x64xf32, #tpu.memory_space<vmem>>)
        %dma_wait3A_418 = arith.constant 0 : i32
        %dma_wait3A_419 = tpu.memref_slice %arg6[%add3A_164, %dma_wait3A_418] : memref<160x64xf32, #tpu.memory_space<vmem>> -> memref<1x64xf32, #tpu.memory_space<vmem>>
        %dma_wait3A_420 = arith.constant 0 : i32
        %dma_wait3A_421 = tpu.memref_slice %arg2[%reduce_sum3A_160, %dma_wait3A_420] : memref<1000000x64xf32, #tpu.memory_space<hbm>> -> memref<1x64xf32, #tpu.memory_space<hbm>>
        %dma_wait3A_422 = arith.constant 0 : i32
        %dma_wait3A_423 = tpu.memref_slice %arg6[%add3A_164, %dma_wait3A_422] : memref<160x64xf32, #tpu.memory_space<vmem>> -> memref<1x64xf32, #tpu.memory_space<vmem>>
        %dma_wait3A_424 = arith.constant 0 : i32
        %dma_wait3A_425 = tpu.memref_slice %arg2[%reduce_sum3A_160, %dma_wait3A_424] : memref<1000000x64xf32, #tpu.memory_space<hbm>> -> memref<1x64xf32, #tpu.memory_space<hbm>>
        tpu.wait_dma2 semaphore(%arg7 : memref<!tpu.dma_semaphore, #tpu.memory_space<semaphore_mem>>) src(%dma_wait3A_425 : memref<1x64xf32, #tpu.memory_space<hbm>>) dst(%dma_wait3A_423 : memref<1x64xf32, #tpu.memory_space<vmem>>)
        %dma_wait3A_426 = arith.constant 0 : i32
        %dma_wait3A_427 = tpu.memref_slice %arg6[%add3A_186, %dma_wait3A_426] : memref<160x64xf32, #tpu.memory_space<vmem>> -> memref<1x64xf32, #tpu.memory_space<vmem>>
        %dma_wait3A_428 = arith.constant 0 : i32
        %dma_wait3A_429 = tpu.memref_slice %arg2[%reduce_sum3A_182, %dma_wait3A_428] : memref<1000000x64xf32, #tpu.memory_space<hbm>> -> memref<1x64xf32, #tpu.memory_space<hbm>>
        %dma_wait3A_430 = arith.constant 0 : i32
        %dma_wait3A_431 = tpu.memref_slice %arg6[%add3A_186, %dma_wait3A_430] : memref<160x64xf32, #tpu.memory_space<vmem>> -> memref<1x64xf32, #tpu.memory_space<vmem>>
        %dma_wait3A_432 = arith.constant 0 : i32
        %dma_wait3A_433 = tpu.memref_slice %arg2[%reduce_sum3A_182, %dma_wait3A_432] : memref<1000000x64xf32, #tpu.memory_space<hbm>> -> memref<1x64xf32, #tpu.memory_space<hbm>>
        tpu.wait_dma2 semaphore(%arg7 : memref<!tpu.dma_semaphore, #tpu.memory_space<semaphore_mem>>) src(%dma_wait3A_433 : memref<1x64xf32, #tpu.memory_space<hbm>>) dst(%dma_wait3A_431 : memref<1x64xf32, #tpu.memory_space<vmem>>)
        %dma_wait3A_434 = arith.constant 0 : i32
        %dma_wait3A_435 = tpu.memref_slice %arg6[%add3A_208, %dma_wait3A_434] : memref<160x64xf32, #tpu.memory_space<vmem>> -> memref<1x64xf32, #tpu.memory_space<vmem>>
        %dma_wait3A_436 = arith.constant 0 : i32
        %dma_wait3A_437 = tpu.memref_slice %arg2[%reduce_sum3A_204, %dma_wait3A_436] : memref<1000000x64xf32, #tpu.memory_space<hbm>> -> memref<1x64xf32, #tpu.memory_space<hbm>>
        %dma_wait3A_438 = arith.constant 0 : i32
        %dma_wait3A_439 = tpu.memref_slice %arg6[%add3A_208, %dma_wait3A_438] : memref<160x64xf32, #tpu.memory_space<vmem>> -> memref<1x64xf32, #tpu.memory_space<vmem>>
        %dma_wait3A_440 = arith.constant 0 : i32
        %dma_wait3A_441 = tpu.memref_slice %arg2[%reduce_sum3A_204, %dma_wait3A_440] : memref<1000000x64xf32, #tpu.memory_space<hbm>> -> memref<1x64xf32, #tpu.memory_space<hbm>>
        tpu.wait_dma2 semaphore(%arg7 : memref<!tpu.dma_semaphore, #tpu.memory_space<semaphore_mem>>) src(%dma_wait3A_441 : memref<1x64xf32, #tpu.memory_space<hbm>>) dst(%dma_wait3A_439 : memref<1x64xf32, #tpu.memory_space<vmem>>)
        %dma_wait3A_442 = arith.constant 0 : i32
        %dma_wait3A_443 = tpu.memref_slice %arg6[%add3A_230, %dma_wait3A_442] : memref<160x64xf32, #tpu.memory_space<vmem>> -> memref<1x64xf32, #tpu.memory_space<vmem>>
        %dma_wait3A_444 = arith.constant 0 : i32
        %dma_wait3A_445 = tpu.memref_slice %arg2[%reduce_sum3A_226, %dma_wait3A_444] : memref<1000000x64xf32, #tpu.memory_space<hbm>> -> memref<1x64xf32, #tpu.memory_space<hbm>>
        %dma_wait3A_446 = arith.constant 0 : i32
        %dma_wait3A_447 = tpu.memref_slice %arg6[%add3A_230, %dma_wait3A_446] : memref<160x64xf32, #tpu.memory_space<vmem>> -> memref<1x64xf32, #tpu.memory_space<vmem>>
        %dma_wait3A_448 = arith.constant 0 : i32
        %dma_wait3A_449 = tpu.memref_slice %arg2[%reduce_sum3A_226, %dma_wait3A_448] : memref<1000000x64xf32, #tpu.memory_space<hbm>> -> memref<1x64xf32, #tpu.memory_space<hbm>>
        tpu.wait_dma2 semaphore(%arg7 : memref<!tpu.dma_semaphore, #tpu.memory_space<semaphore_mem>>) src(%dma_wait3A_449 : memref<1x64xf32, #tpu.memory_space<hbm>>) dst(%dma_wait3A_447 : memref<1x64xf32, #tpu.memory_space<vmem>>)
        %dma_wait3A_450 = arith.constant 0 : i32
        %dma_wait3A_451 = tpu.memref_slice %arg6[%add3A_252, %dma_wait3A_450] : memref<160x64xf32, #tpu.memory_space<vmem>> -> memref<1x64xf32, #tpu.memory_space<vmem>>
        %dma_wait3A_452 = arith.constant 0 : i32
        %dma_wait3A_453 = tpu.memref_slice %arg2[%reduce_sum3A_248, %dma_wait3A_452] : memref<1000000x64xf32, #tpu.memory_space<hbm>> -> memref<1x64xf32, #tpu.memory_space<hbm>>
        %dma_wait3A_454 = arith.constant 0 : i32
        %dma_wait3A_455 = tpu.memref_slice %arg6[%add3A_252, %dma_wait3A_454] : memref<160x64xf32, #tpu.memory_space<vmem>> -> memref<1x64xf32, #tpu.memory_space<vmem>>
        %dma_wait3A_456 = arith.constant 0 : i32
        %dma_wait3A_457 = tpu.memref_slice %arg2[%reduce_sum3A_248, %dma_wait3A_456] : memref<1000000x64xf32, #tpu.memory_space<hbm>> -> memref<1x64xf32, #tpu.memory_space<hbm>>
        tpu.wait_dma2 semaphore(%arg7 : memref<!tpu.dma_semaphore, #tpu.memory_space<semaphore_mem>>) src(%dma_wait3A_457 : memref<1x64xf32, #tpu.memory_space<hbm>>) dst(%dma_wait3A_455 : memref<1x64xf32, #tpu.memory_space<vmem>>)
        %dma_wait3A_458 = arith.constant 0 : i32
        %dma_wait3A_459 = tpu.memref_slice %arg6[%add3A_274, %dma_wait3A_458] : memref<160x64xf32, #tpu.memory_space<vmem>> -> memref<1x64xf32, #tpu.memory_space<vmem>>
        %dma_wait3A_460 = arith.constant 0 : i32
        %dma_wait3A_461 = tpu.memref_slice %arg2[%reduce_sum3A_270, %dma_wait3A_460] : memref<1000000x64xf32, #tpu.memory_space<hbm>> -> memref<1x64xf32, #tpu.memory_space<hbm>>
        %dma_wait3A_462 = arith.constant 0 : i32
        %dma_wait3A_463 = tpu.memref_slice %arg6[%add3A_274, %dma_wait3A_462] : memref<160x64xf32, #tpu.memory_space<vmem>> -> memref<1x64xf32, #tpu.memory_space<vmem>>
        %dma_wait3A_464 = arith.constant 0 : i32
        %dma_wait3A_465 = tpu.memref_slice %arg2[%reduce_sum3A_270, %dma_wait3A_464] : memref<1000000x64xf32, #tpu.memory_space<hbm>> -> memref<1x64xf32, #tpu.memory_space<hbm>>
        tpu.wait_dma2 semaphore(%arg7 : memref<!tpu.dma_semaphore, #tpu.memory_space<semaphore_mem>>) src(%dma_wait3A_465 : memref<1x64xf32, #tpu.memory_space<hbm>>) dst(%dma_wait3A_463 : memref<1x64xf32, #tpu.memory_space<vmem>>)
        %dma_wait3A_466 = arith.constant 0 : i32
        %dma_wait3A_467 = tpu.memref_slice %arg6[%add3A_296, %dma_wait3A_466] : memref<160x64xf32, #tpu.memory_space<vmem>> -> memref<1x64xf32, #tpu.memory_space<vmem>>
        %dma_wait3A_468 = arith.constant 0 : i32
        %dma_wait3A_469 = tpu.memref_slice %arg2[%reduce_sum3A_292, %dma_wait3A_468] : memref<1000000x64xf32, #tpu.memory_space<hbm>> -> memref<1x64xf32, #tpu.memory_space<hbm>>
        %dma_wait3A_470 = arith.constant 0 : i32
        %dma_wait3A_471 = tpu.memref_slice %arg6[%add3A_296, %dma_wait3A_470] : memref<160x64xf32, #tpu.memory_space<vmem>> -> memref<1x64xf32, #tpu.memory_space<vmem>>
        %dma_wait3A_472 = arith.constant 0 : i32
        %dma_wait3A_473 = tpu.memref_slice %arg2[%reduce_sum3A_292, %dma_wait3A_472] : memref<1000000x64xf32, #tpu.memory_space<hbm>> -> memref<1x64xf32, #tpu.memory_space<hbm>>
        tpu.wait_dma2 semaphore(%arg7 : memref<!tpu.dma_semaphore, #tpu.memory_space<semaphore_mem>>) src(%dma_wait3A_473 : memref<1x64xf32, #tpu.memory_space<hbm>>) dst(%dma_wait3A_471 : memref<1x64xf32, #tpu.memory_space<vmem>>)
        %dma_wait3A_474 = arith.constant 0 : i32
        %dma_wait3A_475 = tpu.memref_slice %arg6[%add3A_318, %dma_wait3A_474] : memref<160x64xf32, #tpu.memory_space<vmem>> -> memref<1x64xf32, #tpu.memory_space<vmem>>
        %dma_wait3A_476 = arith.constant 0 : i32
        %dma_wait3A_477 = tpu.memref_slice %arg2[%reduce_sum3A_314, %dma_wait3A_476] : memref<1000000x64xf32, #tpu.memory_space<hbm>> -> memref<1x64xf32, #tpu.memory_space<hbm>>
        %dma_wait3A_478 = arith.constant 0 : i32
        %dma_wait3A_479 = tpu.memref_slice %arg6[%add3A_318, %dma_wait3A_478] : memref<160x64xf32, #tpu.memory_space<vmem>> -> memref<1x64xf32, #tpu.memory_space<vmem>>
        %dma_wait3A_480 = arith.constant 0 : i32
        %dma_wait3A_481 = tpu.memref_slice %arg2[%reduce_sum3A_314, %dma_wait3A_480] : memref<1000000x64xf32, #tpu.memory_space<hbm>> -> memref<1x64xf32, #tpu.memory_space<hbm>>
        tpu.wait_dma2 semaphore(%arg7 : memref<!tpu.dma_semaphore, #tpu.memory_space<semaphore_mem>>) src(%dma_wait3A_481 : memref<1x64xf32, #tpu.memory_space<hbm>>) dst(%dma_wait3A_479 : memref<1x64xf32, #tpu.memory_space<vmem>>)
        %dma_wait3A_482 = arith.constant 0 : i32
        %dma_wait3A_483 = tpu.memref_slice %arg6[%add3A_340, %dma_wait3A_482] : memref<160x64xf32, #tpu.memory_space<vmem>> -> memref<1x64xf32, #tpu.memory_space<vmem>>
        %dma_wait3A_484 = arith.constant 0 : i32
        %dma_wait3A_485 = tpu.memref_slice %arg2[%reduce_sum3A_336, %dma_wait3A_484] : memref<1000000x64xf32, #tpu.memory_space<hbm>> -> memref<1x64xf32, #tpu.memory_space<hbm>>
        %dma_wait3A_486 = arith.constant 0 : i32
        %dma_wait3A_487 = tpu.memref_slice %arg6[%add3A_340, %dma_wait3A_486] : memref<160x64xf32, #tpu.memory_space<vmem>> -> memref<1x64xf32, #tpu.memory_space<vmem>>
        %dma_wait3A_488 = arith.constant 0 : i32
        %dma_wait3A_489 = tpu.memref_slice %arg2[%reduce_sum3A_336, %dma_wait3A_488] : memref<1000000x64xf32, #tpu.memory_space<hbm>> -> memref<1x64xf32, #tpu.memory_space<hbm>>
        tpu.wait_dma2 semaphore(%arg7 : memref<!tpu.dma_semaphore, #tpu.memory_space<semaphore_mem>>) src(%dma_wait3A_489 : memref<1x64xf32, #tpu.memory_space<hbm>>) dst(%dma_wait3A_487 : memref<1x64xf32, #tpu.memory_space<vmem>>)
        %dma_wait3A_490 = arith.constant 0 : i32
        %dma_wait3A_491 = tpu.memref_slice %arg6[%add3A_362, %dma_wait3A_490] : memref<160x64xf32, #tpu.memory_space<vmem>> -> memref<1x64xf32, #tpu.memory_space<vmem>>
        %dma_wait3A_492 = arith.constant 0 : i32
        %dma_wait3A_493 = tpu.memref_slice %arg2[%reduce_sum3A_358, %dma_wait3A_492] : memref<1000000x64xf32, #tpu.memory_space<hbm>> -> memref<1x64xf32, #tpu.memory_space<hbm>>
        %dma_wait3A_494 = arith.constant 0 : i32
        %dma_wait3A_495 = tpu.memref_slice %arg6[%add3A_362, %dma_wait3A_494] : memref<160x64xf32, #tpu.memory_space<vmem>> -> memref<1x64xf32, #tpu.memory_space<vmem>>
        %dma_wait3A_496 = arith.constant 0 : i32
        %dma_wait3A_497 = tpu.memref_slice %arg2[%reduce_sum3A_358, %dma_wait3A_496] : memref<1000000x64xf32, #tpu.memory_space<hbm>> -> memref<1x64xf32, #tpu.memory_space<hbm>>
        tpu.wait_dma2 semaphore(%arg7 : memref<!tpu.dma_semaphore, #tpu.memory_space<semaphore_mem>>) src(%dma_wait3A_497 : memref<1x64xf32, #tpu.memory_space<hbm>>) dst(%dma_wait3A_495 : memref<1x64xf32, #tpu.memory_space<vmem>>)
      }
      %scan3A_14 = arith.constant 10 : i32
      %mul3A_15 = arith.constant 160 : i32
      %mul3A_16 = arith.muli %scan3A_8, %mul3A_15 : i32
      %add3A_17 = arith.addi %mul3A_2, %mul3A_16 : i32
      "tpu.region"() ({
        %run_scoped3A = tpu.sem_alloc : memref<!tpu.dma_semaphore, #tpu.memory_space<semaphore_mem>>
        %dma_start3A = arith.constant 0 : i32
        %dma_start3A_18 = tpu.memref_slice %arg4[%add3A_17, %dma_start3A] : memref<51200x64xf32, #tpu.memory_space<hbm>> -> memref<160x64xf32, #tpu.memory_space<hbm>>
        %dma_start3A_19 = arith.constant 0 : i32
        %dma_start3A_20 = tpu.memref_slice %arg4[%add3A_17, %dma_start3A_19] : memref<51200x64xf32, #tpu.memory_space<hbm>> -> memref<160x64xf32, #tpu.memory_space<hbm>>
        tpu.enqueue_dma source(%arg6 : memref<160x64xf32, #tpu.memory_space<vmem>>) target(%dma_start3A_20 : memref<160x64xf32, #tpu.memory_space<hbm>>) target_semaphore(%run_scoped3A : memref<!tpu.dma_semaphore, #tpu.memory_space<semaphore_mem>>)
        %dma_wait3A = arith.constant 0 : i32
        %dma_wait3A_21 = tpu.memref_slice %arg4[%add3A_17, %dma_wait3A] : memref<51200x64xf32, #tpu.memory_space<hbm>> -> memref<160x64xf32, #tpu.memory_space<hbm>>
        %dma_wait3A_22 = arith.constant 0 : i32
        %dma_wait3A_23 = tpu.memref_slice %arg4[%add3A_17, %dma_wait3A_22] : memref<51200x64xf32, #tpu.memory_space<hbm>> -> memref<160x64xf32, #tpu.memory_space<hbm>>
        tpu.wait_dma2 semaphore(%run_scoped3A : memref<!tpu.dma_semaphore, #tpu.memory_space<semaphore_mem>>) src(%arg6 : memref<160x64xf32, #tpu.memory_space<vmem>>) dst(%dma_wait3A_23 : memref<160x64xf32, #tpu.memory_space<hbm>>)
        tpu.yield
      }) : () -> ()
    }
    %scan3A_7 = arith.constant 10 : i32
    return
  }
}

module attributes {stable_mosaic.version = 14 : i64} {
  func.func @_add_body(%arg0: i32, %arg1: memref<1024x64xf32, #tpu.memory_space<vmem>>, %arg2: memref<1024x64xf32, #tpu.memory_space<vmem>>, %arg3: memref<1x64x1024xf32, #tpu.memory_space<vmem>>) attributes {dimension_semantics = [#tpu.dimension_semantics<arbitrary>], iteration_bounds = array<i64: 50>, scalar_prefetch = 0 : i64, scratch_operands = 0 : i64, tpu.core_type = #tpu.core_type<tc>, window_params = [{transform_indices = @transform_0, window_bounds = array<i64: 1024, 64>}, {transform_indices = @transform_1, window_bounds = array<i64: 1024, 64>}, {transform_indices = @transform_2, window_bounds = array<i64: 1, 64, 1024>}]} {
    %get3A = arith.constant 0 : index
    %get3A_0 = arith.constant 0 : index
    %get3A_1 = vector.load %arg1[%get3A, %get3A_0] : memref<1024x64xf32, #tpu.memory_space<vmem>>, vector<1024x64xf32>
    %get3A_2 = arith.constant 0 : index
    %get3A_3 = arith.constant 0 : index
    %get3A_4 = vector.load %arg2[%get3A_2, %get3A_3] : memref<1024x64xf32, #tpu.memory_space<vmem>>, vector<1024x64xf32>
    %add3A = arith.addf %get3A_1, %get3A_4 : vector<1024x64xf32>
    %transpose3A = tpu.transpose %add3A, [1, 0] : vector<1024x64xf32> -> vector<64x1024xf32>
    %swap3A = arith.constant 0 : index
    %swap3A_5 = arith.constant 0 : index
    %swap3A_6 = arith.constant 0 : index
    %swap3A_7 = vector.load %arg3[%swap3A, %swap3A_5, %swap3A_6] : memref<1x64x1024xf32, #tpu.memory_space<vmem>>, vector<1x64x1024xf32>
    %swap3A_8 = vector.shape_cast %swap3A_7 : vector<1x64x1024xf32> to vector<64x1024xf32>
    %swap3A_9 = vector.shape_cast %transpose3A : vector<64x1024xf32> to vector<1x64x1024xf32>
    tpu.vector_store %arg3[%swap3A, %swap3A_5, %swap3A_6], %swap3A_9 {strides = array<i32>} : memref<1x64x1024xf32, #tpu.memory_space<vmem>>, vector<1x64x1024xf32>,
    return
  }
  func.func @transform_0(%arg0: i32) -> (i32, i32) {
    %c0_i32 = arith.constant 0 : i32
    %c0_i32_0 = arith.constant 0 : i32
    return %arg0, %c0_i32 : i32, i32
  }
  func.func @transform_1(%arg0: i32) -> (i32, i32) {
    %c0_i32 = arith.constant 0 : i32
    %c0_i32_0 = arith.constant 0 : i32
    return %arg0, %c0_i32 : i32, i32
  }
  func.func @transform_2(%arg0: i32) -> (i32, i32, i32) {
    %c0_i32 = arith.constant 0 : i32
    %c0_i32_0 = arith.constant 0 : i32
    %c0_i32_1 = arith.constant 0 : i32
    return %arg0, %c0_i32, %c0_i32_0 : i32, i32, i32
  }
}

module attributes {stable_mosaic.version = 14 : i64} {
  func.func @_moe_body(%arg0: i32, %arg1: memref<2048x768xf32, #tpu.memory_space<vmem>>, %arg2: memref<768x8xf32, #tpu.memory_space<vmem>>, %arg3: memref<768x512xbf16, #tpu.memory_space<vmem>>, %arg4: memref<8x512xf32, #tpu.memory_space<vmem>>, %arg5: memref<8x64xf32, #tpu.memory_space<vmem>>, %arg6: memref<2048x64xf32, #tpu.memory_space<vmem>>) attributes {dimension_semantics = [#tpu.dimension_semantics<arbitrary>], iteration_bounds = array<i64: 25>, scalar_prefetch = 0 : i64, scratch_operands = 0 : i64, tpu.core_type = #tpu.core_type<tc>, window_params = [{transform_indices = @transform_0, window_bounds = array<i64: 2048, 768>}, {pipeline_mode = #tpu.pipeline_mode<synchronous>, transform_indices = @transform_1, window_bounds = array<i64: 768, 8>}, {pipeline_mode = #tpu.pipeline_mode<synchronous>, transform_indices = @transform_2, window_bounds = array<i64: 768, 512>}, {pipeline_mode = #tpu.pipeline_mode<synchronous>, transform_indices = @transform_3, window_bounds = array<i64: 8, 512>}, {pipeline_mode = #tpu.pipeline_mode<synchronous>, transform_indices = @transform_4, window_bounds = array<i64: 8, 64>}, {transform_indices = @transform_5, window_bounds = array<i64: 2048, 64>}]} {
    %get3A = arith.constant 0 : index
    %get3A_0 = arith.constant 0 : index
    %get3A_1 = vector.load %arg1[%get3A, %get3A_0] : memref<2048x768xf32, #tpu.memory_space<vmem>>, vector<2048x768xf32>
    %get3A_2 = arith.constant 0 : index
    %get3A_3 = arith.constant 0 : index
    %get3A_4 = vector.load %arg2[%get3A_2, %get3A_3] : memref<768x8xf32, #tpu.memory_space<vmem>>, vector<768x8xf32>
    %dot_general3A = arith.constant dense<0.000000e+00> : vector<2048x8xf32>
    %dot_general3A_5 = tpu.matmul %get3A_1, %get3A_4, %dot_general3A {dimension_numbers = #tpu.dot_dimension_numbers<[1], [0], [0], [1], [0, 0, 1, 1], [], []>, transpose_lhs_hint = false} : vector<2048x768xf32>, vector<768x8xf32>, vector<2048x8xf32> -> vector<2048x8xf32>
    %reduce_max3A = arith.constant dense<0xFF800000> : vector<2048xf32>
    %reduce_max3A_6 = vector.multi_reduction <maximumf>, %dot_general3A_5, %reduce_max3A [1] : vector<2048x8xf32> to vector<2048xf32>
    %max3A = arith.constant 0xFF800000 : f32
    %max3A_7 = vector.broadcast %max3A : f32 to vector<2048xf32>
    %max3A_8 = arith.maximumf %max3A_7, %reduce_max3A_6 : vector<2048xf32>
    %broadcast_in_dim3A = vector.shape_cast %max3A_8 : vector<2048xf32> to vector<2048x1xf32>
    %sub3A = vector.broadcast %broadcast_in_dim3A : vector<2048x1xf32> to vector<2048x8xf32>
    %sub3A_9 = arith.subf %dot_general3A_5, %sub3A : vector<2048x8xf32>
    %exp3A = math.exp %sub3A_9 : vector<2048x8xf32>
    %reduce_sum3A = arith.constant dense<0.000000e+00> : vector<2048xf32>
    %reduce_sum3A_10 = vector.multi_reduction <add>, %exp3A, %reduce_sum3A [1] : vector<2048x8xf32> to vector<2048xf32>
    %broadcast_in_dim3A_11 = vector.shape_cast %reduce_sum3A_10 : vector<2048xf32> to vector<2048x1xf32>
    %div3A = vector.broadcast %broadcast_in_dim3A_11 : vector<2048x1xf32> to vector<2048x8xf32>
    %div3A_12 = arith.divf %exp3A, %div3A : vector<2048x8xf32>
    %convert_element_type3A = arith.truncf %get3A_1 : vector<2048x768xf32> to vector<2048x768xbf16>
    %get3A_13 = arith.constant 0 : index
    %get3A_14 = arith.constant 0 : index
    %get3A_15 = vector.load %arg3[%get3A_13, %get3A_14] : memref<768x512xbf16, #tpu.memory_space<vmem>>, vector<768x512xbf16>
    %dot_general3A_16 = arith.constant dense<0.000000e+00> : vector<2048x512xf32>
    %dot_general3A_17 = tpu.matmul %convert_element_type3A, %get3A_15, %dot_general3A_16 {dimension_numbers = #tpu.dot_dimension_numbers<[1], [0], [0], [1], [0, 0, 1, 1], [], []>, transpose_lhs_hint = false} : vector<2048x768xbf16>, vector<768x512xbf16>, vector<2048x512xf32> -> vector<2048x512xf32>
    %get3A_18 = arith.constant 0 : index
    %get3A_19 = arith.constant 0 : index
    %get3A_20 = vector.load %arg4[%get3A_18, %get3A_19] : memref<8x512xf32, #tpu.memory_space<vmem>>, vector<8x512xf32>
    %dot_general3A_21 = arith.constant dense<0.000000e+00> : vector<2048x512xf32>
    %dot_general3A_22 = tpu.matmul %div3A_12, %get3A_20, %dot_general3A_21 {dimension_numbers = #tpu.dot_dimension_numbers<[1], [0], [0], [1], [0, 0, 1, 1], [], []>, transpose_lhs_hint = false} : vector<2048x8xf32>, vector<8x512xf32>, vector<2048x512xf32> -> vector<2048x512xf32>
    %mul3A = arith.mulf %dot_general3A_17, %dot_general3A_22 : vector<2048x512xf32>
    %reshape3A = vector.shape_cast %mul3A : vector<2048x512xf32> to vector<2048x4x128xf32>
    %reduce_sum3A_23 = arith.constant dense<0.000000e+00> : vector<2048x128xf32>
    %reduce_sum3A_24 = vector.multi_reduction <add>, %reshape3A, %reduce_sum3A_23 [1] : vector<2048x4x128xf32> to vector<2048x128xf32>
    %slice3A = vector.extract_strided_slice %reduce_sum3A_24 {offsets = [0, 0], sizes = [2048, 64], strides = [1, 1]} : vector<2048x128xf32> to vector<2048x64xf32>
    %slice3A_25 = vector.extract_strided_slice %reduce_sum3A_24 {offsets = [0, 64], sizes = [2048, 64], strides = [1, 1]} : vector<2048x128xf32> to vector<2048x64xf32>
    %add3A = arith.addf %slice3A, %slice3A_25 : vector<2048x64xf32>
    %get3A_26 = arith.constant 0 : index
    %get3A_27 = arith.constant 0 : index
    %get3A_28 = vector.load %arg5[%get3A_26, %get3A_27] : memref<8x64xf32, #tpu.memory_space<vmem>>, vector<8x64xf32>
    %dot_general3A_29 = arith.constant dense<0.000000e+00> : vector<2048x64xf32>
    %dot_general3A_30 = tpu.matmul %div3A_12, %get3A_28, %dot_general3A_29 {dimension_numbers = #tpu.dot_dimension_numbers<[1], [0], [0], [1], [0, 0, 1, 1], [], []>, transpose_lhs_hint = false} : vector<2048x8xf32>, vector<8x64xf32>, vector<2048x64xf32> -> vector<2048x64xf32>
    %add3A_31 = arith.addf %add3A, %dot_general3A_30 : vector<2048x64xf32>
    %swap3A = arith.constant 0 : index
    %swap3A_32 = arith.constant 0 : index
    %swap3A_33 = vector.load %arg6[%swap3A, %swap3A_32] : memref<2048x64xf32, #tpu.memory_space<vmem>>, vector<2048x64xf32>
    tpu.vector_store %arg6[%swap3A, %swap3A_32], %add3A_31 {strides = array<i32>} : memref<2048x64xf32, #tpu.memory_space<vmem>>, vector<2048x64xf32>,
    return
  }
  func.func @transform_0(%arg0: i32) -> (i32, i32) {
    %c0_i32 = arith.constant 0 : i32
    %c0_i32_0 = arith.constant 0 : i32
    return %arg0, %c0_i32 : i32, i32
  }
  func.func @transform_1(%arg0: i32) -> (i32, i32) {
    %c0_i32 = arith.constant 0 : i32
    %c0_i32_0 = arith.constant 0 : i32
    %c0_i32_1 = arith.constant 0 : i32
    return %c0_i32, %c0_i32_0 : i32, i32
  }
  func.func @transform_2(%arg0: i32) -> (i32, i32) {
    %c0_i32 = arith.constant 0 : i32
    %c0_i32_0 = arith.constant 0 : i32
    %c0_i32_1 = arith.constant 0 : i32
    return %c0_i32, %c0_i32_0 : i32, i32
  }
  func.func @transform_3(%arg0: i32) -> (i32, i32) {
    %c0_i32 = arith.constant 0 : i32
    %c0_i32_0 = arith.constant 0 : i32
    %c0_i32_1 = arith.constant 0 : i32
    return %c0_i32, %c0_i32_0 : i32, i32
  }
  func.func @transform_4(%arg0: i32) -> (i32, i32) {
    %c0_i32 = arith.constant 0 : i32
    %c0_i32_0 = arith.constant 0 : i32
    %c0_i32_1 = arith.constant 0 : i32
    return %c0_i32, %c0_i32_0 : i32, i32
  }
  func.func @transform_5(%arg0: i32) -> (i32, i32) {
    %c0_i32 = arith.constant 0 : i32
    %c0_i32_0 = arith.constant 0 : i32
    return %arg0, %c0_i32 : i32, i32
  }
}

</mosaic_0001>

<sc_bundles>
// kernel: kernel.5.cloned.1.call-start
scs
__scs_entry_jumppad:
0x0: {  	(pc) =	sbr.rel $0x88, $3  }
0x1: {  	(tag) =	ssettag $0x0;
	lr =	simm.s32 $0x1  }
0x2: {  	[smem:$0x3F9B] =	sst lr;
	_ =	strace $0xD0000000  }
0x3: {  	_ = 	snop  }
0x4: {  	_ = 	snop  }
0x5: {  	_ = 	snop  }
0x6: {  	_ = 	snop  }
0x7: {  	_ = 	snop  }
__scs_overlays_trampoline_lowered:
0x8: {  	[smem:$0x3FAA] =	sst s0  }
0x9: {  	[smem:$0x3FAB] =	sst s1  }
0xa: {  	[smem:$0x3FAC] =	sst s2  }
0xb: {  	[smem:$0x3FAD] =	sst s3  }
0xc: {  	[smem:$0x3FAE] =	sst s4  }
0xd: {  	[smem:$0x3FAF] =	sst s5  }
0xe: {  	[smem:$0x3FB0] =	sst s6  }
0xf: {  	[smem:$0x3FB1] =	sst s7  }
0x10: {  	[smem:$0x3FB2] =	sst s8  }
0x11: {  	[smem:$0x3FB3] =	sst s9;
	s0 =	simm.s32 @!p0 $0x0  }
0x12: {  	s1 =	sld [smem:$0x3F99];
	s0 =	simm.s32 @p0 $0x1  }
0x13: {  	[smem:$0x3FB4] =	sst s0;
	s0 =	simm.s32 @!p1 $0x0  }
0x14: {  	s2 =	sld [smem:$0x3F98];
	s0 =	simm.s32 @p1 $0x1  }
0x15: {  	[smem:$0x3FB5] =	sst s0;
	s0 =	simm.s32 @!p2 $0x0  }
0x16: {  	s3 =	sld [smem:$0x3FDB];
	s0 =	simm.s32 @p2 $0x1  }
0x17: {  	s4 =	simm.s32 $0x1BF5;
	[smem:$0x3FB7] =	sst s0  }
0x18: {  	s0 =	sld [smem:$0x3F9A];
	_ =	swait.ge [sflag:s4], $0x0  }
0x19: {  	s7 =	sld [smem:$0x3F9B]  }
0x1a: {  	s8 =	sadd.s32 $0xFFFFE003, lr  }
0x1b: {  	s9 =	sadd.s32 $0xFFFFFEF7, lr;
	s5 =	simm.s32 $0xFFFFFFFF;
	p2 =	slt.u32 s8, $0xFFFFF086  }
0x1c: {  	p1 =	slt.u32 s9, $0xF7A;
	s5 =	simm.s32 @!p2 $0x0  }
0x1d: {  	s5 =	simm.s32 @p1 $0x1;
	p0 =	seq.s32 s7, s2  }
0x1e: {  	s7 =	smul.u32 @!p0 $0xF7A, s2;
	p2 =	seq.s32 @!p0 s5, $0x0  }
0x1f: {  	s9 =	smul.u32 $0xF7A, s1;
	s8 =	simm.s32 @!p0 $0x1BF5;
	p2 =	por !p2, p0  }
0x20: {  	[sflag:s8] =	ssyncset.s32 @!p0 $0xFFFFF086;
	s6 =	sadd.s32 @!p0 s3, s7;
	s7 =	simm.s32 @!p0 $0x108  }
0x21: {  	s3 =	sadd.s32 s3, s9;
	s6 =	sadd.s32 @!p0 $0x88, s6;
	s7 =	simm.s32 @p2 $0x1082  }
0x22: {  	[simem:s7], [sflag:s8] =	dma.local @!p0 [hbm:s6], $0xF7A  }
0x23: {  	s9 =	sor.u32 $0xD0000000, s2;
	s6 =	simm.s32 $0x108;
	_ =	swait.ge @!p0 [sflag:s8], $0x0  }
0x24: {  	s3 =	sadd.s32 $0x88, s3;
	s6 =	simm.s32 @!p1 $0x1082;
	[sflag:s4] =	ssyncset.s32 $0xFFFFF086  }
0x25: {  	[simem:s6], [sflag:s4] =	dma.local [hbm:s3], $0xF7A  }
0x26: {  	[smem:$0x3F9B] =	sst s1;
	(tag) =	ssettag s2;
	_ =	strace s9  }
0x27: {  	s1 =	sld [smem:$0x3FAB]  }
0x28: {  	s2 =	sld [smem:$0x3FAC]  }
0x29: {  	s4 =	sld [smem:$0x3FAE]  }
0x2a: {  	p0 =	seq.s32 s5, $0x0;
	s5 =	sld [smem:$0x3FAF]  }
0x2b: {  	s6 =	sld [smem:$0x3FB0]  }
0x2c: {  	s7 =	sld [smem:$0x3FB1]  }
0x2d: {  	s3 =	simm.s32 $0x108;
	s8 =	sld [smem:$0x3FB2]  }
0x2e: {  	s3 =	simm.s32 @!p0 $0x1082;
	s9 =	sld [smem:$0x3FB3]  }
0x2f: {  	lr =	sadd.s32 s0, s3;
	s0 =	sld [smem:$0x3FAA]  }
0x30: {  	s3 =	sld [smem:$0x3FAD]  }
0x31: {  	[smem:$0x3FB6] =	sst s10  }
0x32: {  	s10 =	sld [smem:$0x3FB4];
	_ =	sdelay $0x3  }
0x33: {  	p0 =	seq.s32 s10, $0x1;
	s10 =	sld [smem:$0x3FB6];
	_ =	sdelay $0x3  }
0x34: {  	[smem:$0x3FB6] =	sst s10  }
0x35: {  	s10 =	sld [smem:$0x3FB5];
	_ =	sdelay $0x3  }
0x36: {  	p1 =	seq.s32 s10, $0x1;
	s10 =	sld [smem:$0x3FB6];
	_ =	sdelay $0x3  }
0x37: {  	[smem:$0x3FB6] =	sst s10  }
0x38: {  	s10 =	sld [smem:$0x3FB7]  }
0x39: {  	_ = 	snop;
	(pc) =	sbr.ind lr, $3  }
0x3a: {  	_ = 	snop  }
0x3b: {  	_ = 	snop  }
0x3c: {  	p2 =	seq.s32 s10, $0x1;
	s10 =	sld [smem:$0x3FB6]  }
0x3d: {  	_ =	shalt  }
0x3e: {  	_ =	shalt  }
0x3f: {  	_ =	shalt  }
0x40: {  	_ =	shalt  }
0x41: {  	_ =	shalt  }
0x42: {  	_ =	shalt  }
0x43: {  	_ =	shalt  }
0x44: {  	_ =	shalt  }
0x45: {  	_ =	shalt  }
0x46: {  	_ =	shalt  }
0x47: {  	_ =	shalt  }
0x48: {  	_ =	shalt  }
0x49: {  	_ =	shalt  }
0x4a: {  	_ =	shalt  }
0x4b: {  	_ =	shalt  }
0x4c: {  	_ =	shalt  }
0x4d: {  	_ =	shalt  }
0x4e: {  	_ =	shalt  }
0x4f: {  	_ =	shalt  }
0x50: {  	_ =	shalt  }
0x51: {  	_ =	shalt  }
0x52: {  	_ =	shalt  }
0x53: {  	_ =	shalt  }
0x54: {  	_ =	shalt  }
0x55: {  	_ =	shalt  }
0x56: {  	_ =	shalt  }
0x57: {  	_ =	shalt  }
0x58: {  	_ =	shalt  }
0x59: {  	_ =	shalt  }
0x5a: {  	_ =	shalt  }
0x5b: {  	_ =	shalt  }
0x5c: {  	_ =	shalt  }
0x5d: {  	_ =	shalt  }
0x5e: {  	_ =	shalt  }
0x5f: {  	_ =	shalt  }
0x60: {  	_ =	shalt  }
0x61: {  	_ =	shalt  }
0x62: {  	_ =	shalt  }
0x63: {  	_ =	shalt  }
0x64: {  	_ =	shalt  }
0x65: {  	_ =	shalt  }
0x66: {  	_ =	shalt  }
0x67: {  	_ =	shalt  }
0x68: {  	_ =	shalt  }
0x69: {  	_ =	shalt  }
0x6a: {  	_ =	shalt  }
0x6b: {  	_ =	shalt  }
0x6c: {  	_ =	shalt  }
0x6d: {  	_ =	shalt  }
0x6e: {  	_ =	shalt  }
0x6f: {  	_ =	shalt  }
0x70: {  	_ =	shalt  }
0x71: {  	_ =	shalt  }
0x72: {  	_ =	shalt  }
0x73: {  	_ =	shalt  }
0x74: {  	_ =	shalt  }
0x75: {  	_ =	shalt  }
0x76: {  	_ =	shalt  }
0x77: {  	_ =	shalt  }
0x78: {  	_ =	shalt  }
0x79: {  	_ =	shalt  }
0x7a: {  	_ =	shalt  }
0x7b: {  	_ =	shalt  }
0x7c: {  	_ =	shalt  }
0x7d: {  	_ =	shalt  }
0x7e: {  	_ =	shalt  }
0x7f: {  	_ =	shalt  }
0x80: {  	_ =	shalt  }
0x81: {  	_ =	shalt  }
0x82: {  	_ =	shalt  }
0x83: {  	_ =	shalt  }
0x84: {  	_ =	shalt  }
0x85: {  	_ =	shalt  }
0x86: {  	_ =	shalt  }
0x87: {  	_ =	shalt  }
.Lfunc_end0:
.L_simem_size_0:
called_computation_lowered:
.L_overlay_start_0:
0x88: {  	s2 =	sld [smem:$0x3FD9]  }
0x89: {  	s3 =	sld [smem:$0x3FFE];
	_ =	sdelay $0x1  }
0x8a: {  	s1 =	srdreg.scid  }
0x8b: {  	s0 =	sand.u32 $0x1, s1  }
0x8c: {  	s17 =	sshll.u32 s0, $0xA;
	s2 =	sadd.s32 s3, s2  }
0x8d: {  	s2 =	sadd.s32 s2, s17  }
0x8e: {  	[smem:$0x3FC2] =	sst s2  }
0x8f: {  	_ = 	snop  }
0x90: {  	s2 =	sld [smem:$0x3FD0];
	(tm) =	ssettm $0x1  }
0x91: {  	s18 =	sld [smem:$0x3FFB];
	_ =	sdelay $0x3  }
0x92: {  	_ =	strace s18  }
0x93: {  	s3 =	sld [smem:$0x3FFC];
	_ =	sdelay $0x3  }
0x94: {  	_ =	strace s3  }
0x95: {  	s3 =	sld [smem:$0x3FFD];
	_ =	sdelay $0x3  }
0x96: {  	_ =	strace s3  }
0x97: {  	_ =	strace $0x8FFFFFFF  }
0x98: {  	s19 =	sld [smem:$0x3FDB];
	_ =	sdelay $0x1  }
0x99: {  	s4 =	simm.s32 $_scs_section_size  }
0x9a: {  	s5 =	simm.s32 $_size__tile_overlayer_lowered;
	s6 =	simm.s32 $_tile_overlayer_lowered  }
0x9b: {  	s22 =	simm.s32 $0x1BFF;
	s21 =	sshll.u32 s6, $0x1;
	s3 =	sadd.s32 s4, s19  }
0x9c: {  	s7 =	simm.s32 $0x0;
	s20 =	sshll.u32 s5, $0x1;
	s5 =	sadd.s32 s21, s3  }
0x9d: {  	[timem:s7], [sflag:s22] =	dma.local [hbm:s5], s20  }
0x9e: {  	_ =	swait.ge [sflag:s22], s20  }
0x9f: {  	s4 =	ssub.s32 $0x0, s20;
	[sflag:s22] =	ssyncset.done $0x0  }
0xa0: {  	[sflag:s22] =	ssyncadd.s32 s4;
	_ =	sdelay $0x1  }
0xa1: {  	s23 =	simm.s32 $0x1B8B  }
0xa2: {  	_ =	swait.ge [sflag:s23], $0x1  }
0xa3: {  	[sflag:s23] =	ssyncset.done $0x0  }
0xa4: {  	s25 =	simm.s32 $0x1B8E;
	s24 =	sld [smem:$0x3FFE];
	[sflag:s23] =	ssyncadd.s32 $0xFFFFFFFF  }
0xa5: {  	s26 =	simm.s32 $execute0_lowered;
	[smem:$0x3FD2] =	sst s25  }
0xa6: {  	s5 =	sshll.u32 s26, $0x1;
	_ =	strace $0x80000046;
	[dreg:$0x1] =	wrdreg $0xFFFFFFFF  }
0xa7: {  	s28 =	simm.s32 $_size_execute0_lowered;
	s3 =	sadd.s32 s3, s5;
	[dreg:$0x0] =	wrdreg $0x0  }
0xa8: {  	s5 =	sshll.u32 s28, $0x1;
	[dreg:$0x2] =	wrdreg s3  }
0xa9: {  	[dreg:$0x3] =	wrdreg s5  }
0xaa: {  	[dreg:$0x4] =	wrdreg $0xC0  }
0xab: {  	_ =	task [dreg:s7], $0x5FFFF  }
0xac: {  	[dreg:$0x1] =	wrdreg $0xFFFFFFFF  }
0xad: {  	[dreg:$0x0] =	wrdreg $0x60  }
0xae: {  	[dreg:$0x2] =	wrdreg s24  }
0xaf: {  	[dreg:$0x3] =	wrdreg s2  }
0xb0: {  	[dreg:$0x4] =	wrdreg $0x9  }
0xb1: {  	_ =	task.clear_ibuf [dreg:s7], $0x5FFFF;
	_ =	strace $0x90000046  }
0xb2: {  	s29 =	simm.s32 $0x9;
	_ =	strace $0x80000048  }
0xb3: {  	_ =	swait.ge [sflag:s29], $0x1  }
0xb4: {  	[sflag:s29] =	ssyncadd.s32 $0xFFFFFFFF  }
0xb5: {  	_ =	strace $0x90000048  }
0xb6: {  	_ =	sfence  }
0xb7: {  	s30 =	sld [smem:$0x0];
	_ =	sdelay $0x2  }
0xb8: {  	s31 =	sshll.u32 s1, $0xD;
	s1 =	sshrl.u32 s1, $0x2  }
0xb9: {  	s3 =	sand.u32 $0x4000, s31;
	s1 =	sadd.s32 s1, s30  }
0xba: {  	s0 =	sor.u32 s3, s0;
	s1 =	sshll.u32 s1, $0x11  }
0xbb: {  	s0 =	sor.u32 s1, s0  }
0xbc: {  	s0 =	sadd.s32 $0x8F2B, s0  }
0xbd: {  	[sflag:s0] =	ssyncadd.remote.s32 $0x1  }
0xbe: {  	_ =	sfence.sel $0xFFFF  }
0xbf: {  	[dreg:$0x0] =	wrdreg $0xFFFFFFFF;
	(pc) =	sbr.abs _section_cstart, $3  }
0xc0: {  	[dreg:$0x1] =	wrdreg $0xFFFFFFFF  }
0xc1: {  	_ =	task.clear_ibuf [dreg:s7], $0x2FFFF;
	_ =	strace $0x9FFFFFFF  }
0xc2: {  	(tm) =	ssettm $0x7FFFFFFF  }
0xc3: {  	_ =	shalt  }
tec
execute0_lowered:
.L_overlay_start_1:
0x0: {  	(tag) =	ssettag $0x1  }
0x1: {  	s4 =	rddreg [dreg:$0x0]  }
0x2: {  	s6 =	rddreg [dreg:$0x1]  }
0x3: {  	s2 =	srdreg.scid;
	s0 =	stileid.u32;
	s11 =	simm.s32 $0x1  }
0x4: {  	s1 =	simm.s32 $0x0;
	s3 =	sand.u32 $0x1, s2;
	s5 =	sshll.u32 s0, $0x1  }
0x5: {  	s2 =	simm.s32 $0x0;
	s7 =	sshrl.u32 s0, $0x2;
	s5 =	sor.u32 s3, s5  }
0x6: {  	vm0 =	vmmov $0x1;
	s7 =	smul.u32 $0x3400, s7;
	s9 =	ssub.s32 $0x2, s3;
	s8 =	sshll.u32 s5, $0x7  }
0x7: {  	vm1 =	vcmask $0x308;
	vm2 =	vcmask $0x70C;
	vm3 =	vcmask $0xB10;
	[smem:$0x7FF] =	sst s2;
	s10 =	sshrl.u32 s9, $0x1;
	s8 =	sand.u32 $0x380, s8  }
0x8: {  	vm4 =	vcmask $0xF14;
	vm5 =	vcmask $0x1318;
	vm6 =	vcmask $0x171C;
	s3 =	sadd.s32 $0xE00, s4;
	s29 =	ssub.s32 s9, s10;
	s7 =	sor.u32 s7, s8  }
0x9: {  	vm7 =	vcmask $0x1B20;
	vm8 =	vcmask $0x1F24;
	vm9 =	vcmask $0x2328;
	s4 =	sadd.s32 $0xF43200, s4;
	s31 =	smax.u32 s29, $0x1;
	s7 =	sshrl.u32 s7, $0x3  }
0xa: {  	vm10 =	vcmask $0x272C;
	vm11 =	vcmask $0x2B30;
	vm12 =	vcmask $0x2F34;
	_ =	strace $0x80000047;
	[dreg:$0x4] =	wrdreg s31;
	s30 =	sadd.s32 s6, s7  }
0xb: {  	vm13 =	vcmask $0x3338;
	vm14 =	vcmask $0x373C;
	vm15 =	vmmov $0x7fff;
	s5 =	smul.u32 $0x640, s5;
	s10 =	simm.s32 $0x2;
	[dreg:$0x3] =	wrdreg s30  }
.LBB2_1:
0xc: {  	[dreg:$0x5] =	wrdreg s1  }
0xd: {  	s0 =	rddreg [dreg:$0x3];
	s31 =	simm.s32 $0x80;
	s6 =	simm.s32 $0x400  }
0xe: {  	[tilespmem:s2], [sflag:$0x2] =	stream.strided.gather [hbm4b:s0+s31], $0x680, s6, s31, $0x38;
	[tilespmem:$0x5680] =	vst v63  }
0xf: {  	_ =	swait.ge [sflag:s10], $0x680  }
0x10: {  	[sflag:s10] =	ssyncset.done $0x0  }
0x11: {  	s14 =	simm.s32 $0x0;
	s15 =	simm.s32 $0x0;
	[sflag:s10] =	ssyncadd.s32 $0xFFFFF980  }
.LBB2_2:
0x12: {  	v0 =	vld [tilespmem:s14+$0x0];
	_ =	sdelay $0x4  }
0x13: {  	v1 =	vsel vm4, $0x0, v0  }
0x14: {  	v2 =	vsel vm5, $0x0, v0;
	(xrf0) =	vadd.scan.msk.s32 $0xffff, v1  }
0x15: {  	v37 =	vsel vm3, $0x0, v0;
	(xrf0) =	vadd.scan.msk.s32 $0xffff, v2  }
0x16: {  	v38 =	vsel vm2, $0x0, v0;
	(xrf0) =	vadd.scan.msk.s32 $0xffff, v37  }
0x17: {  	v39 =	vsel vm1, $0x0, v0;
	(xrf0) =	vadd.scan.msk.s32 $0xffff, v38  }
0x18: {  	v40 =	vnsel vm0, $0x0, v0;
	(xrf0) =	vadd.scan.msk.s32 $0xffff, v39  }
0x19: {  	(xrf0) =	vadd.scan.msk.s32 $0xffff, v40  }
0x1a: {  	v41 =	vsel vm11, $0x0, v0;
	v3, _, _ =	vpop (xrf0)  }
0x1b: {  	v42 =	vsel vm12, $0x0, v0;
	(xrf0) =	vadd.scan.msk.s32 $0xffff, v41;
	(v2sf) =	vpush v3, $0xF;
	v43, _, _ =	vpop (xrf0)  }
0x1c: {  	v44 =	vsel vm13, $0x0, v0;
	(xrf0) =	vadd.scan.msk.s32 $0xffff, v42;
	v45, _, _ =	vpop (xrf0);
	(v2sf) =	vpush v43, $0xF  }
0x1d: {  	v46 =	vsel vm14, $0x0, v0;
	(xrf0) =	vadd.scan.msk.s32 $0xffff, v44;
	v47, _, _ =	vpop (xrf0);
	(v2sf) =	vpush v45, $0xF  }
0x1e: {  	v48 =	vsel vm15, $0x0, v0;
	(xrf0) =	vadd.scan.msk.s32 $0xffff, v46;
	v49, _, _ =	vpop (xrf0);
	(v2sf) =	vpush v47, $0xF  }
0x1f: {  	v50 =	vsel vm6, $0x0, v0;
	(xrf0) =	vadd.scan.msk.s32 $0xffff, v48;
	v51, _, _ =	vpop (xrf0);
	(v2sf) =	vpush v49, $0xF  }
0x20: {  	(xrf0) =	vadd.scan.msk.s32 $0xffff, v50;
	(v2sf) =	vpush v51, $0xF  }
0x21: {  	v53 =	vsel vm7, $0x0, v0;
	v52, _, _ =	vpop (xrf0)  }
0x22: {  	(xrf0) =	vadd.scan.msk.s32 $0xffff, v53;
	(v2sf) =	vpush v52, $0xF;
	v54, _, _ =	vpop (xrf0)  }
0x23: {  	v55 =	vsel vm8, $0x0, v0;
	(v2sf) =	vpush v54, $0xF;
	v56, _, _ =	vpop (xrf0)  }
0x24: {  	(xrf0) =	vadd.scan.msk.s32 $0xffff, v55;
	v57, _, _ =	vpop (xrf0)  }
0x25: {  	v4, _, _ =	vpop (xrf0)  }
0x26: {  	v59, _, _ =	vpop (xrf0)  }
0x27: {  	s22 =	simm.s32 $0x900;
	s20 =	simm.s32 $0xA00;
	s17 =	simm.s32 $0xA80;
	v58 =	vsel vm9, $0x0, v0;
	(v2sf) =	vpush v59, $0xF  }
0x28: {  	s24 =	simm.s32 $0x880;
	s23 =	simm.s32 $0x980;
	s19 =	simm.s32 $0xB00;
	(xrf0) =	vadd.scan.msk.s32 $0xffff, v58;
	v60, _, _ =	vpop (xrf0)  }
0x29: {  	s25 =	simm.s32 $0x680;
	s18 =	simm.s32 $0xB80;
	s16 =	simm.s32 $0xC80;
	v0 =	vsel vm10, $0x0, v0;
	(v2sf) =	vpush v60, $0xF  }
0x2a: {  	s26 =	simm.s32 $0x700;
	s28 =	simm.s32 $0x780;
	(xrf0) =	vadd.scan.msk.s32 $0xffff, v0;
	v61, _, _ =	vpop (xrf0);
	s21 =	spop (v2sf)  }
0x2b: {  	(v2sf) =	vpush v61, $0xF;
	s29 =	sshll.u32 s21, $0x4;
	s21 =	simm.s32 $0xC00;
	s30 =	spop (v2sf)  }
0x2c: {  	s29 =	sand.u32 $0x1FFFFFF0, s29;
	s30 =	sshll.u32 s30, $0x4;
	s31 =	spop (v2sf)  }
0x2d: {  	s31 =	sshll.u32 s31, $0x4;
	s30 =	sand.u32 $0x1FFFFFF0, s30;
	s0 =	spop (v2sf)  }
0x2e: {  	v62, _, _ =	vpop (xrf0);
	s0 =	sshll.u32 s0, $0x4;
	s31 =	sand.u32 $0x1FFFFFF0, s31;
	s1 =	spop (v2sf)  }
0x2f: {  	(v2sf) =	vpush v62, $0xF;
	s1 =	sshll.u32 s1, $0x4;
	s0 =	sand.u32 $0x1FFFFFF0, s0;
	s8 =	spop (v2sf)  }
0x30: {  	v63, _, _ =	vpop (xrf0);
	s12 =	sadd.s32 s3, s31;
	s8 =	sshll.u32 s8, $0x4;
	s1 =	sand.u32 $0x1FFFFFF0, s1  }
0x31: {  	(v2sf) =	vpush v63, $0xF;
	s9 =	spop (v2sf);
	s0 =	sadd.s32 s3, s0;
	s8 =	sand.u32 $0x1FFFFFF0, s8  }
0x32: {  	s9 =	sshll.u32 s9, $0x4;
	s6 =	spop (v2sf);
	s8 =	sadd.s32 s3, s8  }
0x33: {  	[tilespmem:s25], [sflag:$0x1] =	stream.linear.gather [hbm4b:s8+s2], $0x80, $0x38;
	[tilespmem:$0x5680] =	vst v63  }
0x34: {  	s1 =	sadd.s32 s3, s1;
	s9 =	sand.u32 $0x1FFFFFF0, s9;
	s6 =	sshll.u32 s6, $0x4  }
0x35: {  	(v2sf) =	vpush v56, $0xF;
	[tilespmem:s26], [sflag:$0x1] =	stream.linear.gather [hbm4b:s1+s2], $0x80, $0x38;
	[tilespmem:$0x5680] =	vst v63  }
0x36: {  	s8 =	simm.s32 $0x800;
	s25 =	sadd.s32 s3, s30;
	s7 =	spop (v2sf)  }
0x37: {  	[tilespmem:s28], [sflag:$0x1] =	stream.linear.gather [hbm4b:s0+s2], $0x80, $0x38;
	[tilespmem:$0x5680] =	vst v63  }
0x38: {  	s1 =	sadd.s32 s3, s29;
	s26 =	sshll.u32 s7, $0x4;
	s13 =	spop (v2sf)  }
0x39: {  	(v2sf) =	vpush v57, $0xF;
	[tilespmem:s8], [sflag:$0x1] =	stream.linear.gather [hbm4b:s12+s2], $0x80, $0x38;
	[tilespmem:$0x5680] =	vst v63  }
0x3a: {  	s29 =	sand.u32 $0x1FFFFFF0, s26;
	s30 =	sshll.u32 s13, $0x4;
	s31 =	spop (v2sf)  }
0x3b: {  	(v2sf) =	vpush v4, $0xF;
	[tilespmem:s24], [sflag:$0x1] =	stream.linear.gather [hbm4b:s1+s2], $0x80, $0x38;
	[tilespmem:$0x5680] =	vst v63  }
0x3c: {  	s6 =	sand.u32 $0x1FFFFFF0, s6;
	s7 =	sand.u32 $0x1FFFFFF0, s30;
	s0 =	sadd.s32 s3, s29  }
0x3d: {  	[tilespmem:s22], [sflag:$0x1] =	stream.linear.gather [hbm4b:s25+s2], $0x80, $0x38;
	[tilespmem:$0x5680] =	vst v63  }
0x3e: {  	s26 =	sadd.s32 s3, s7;
	s12 =	sshll.u32 s31, $0x4;
	s13 =	spop (v2sf)  }
0x3f: {  	[tilespmem:s23], [sflag:$0x1] =	stream.linear.gather [hbm4b:s0+s2], $0x80, $0x38;
	[tilespmem:$0x5680] =	vst v63  }
0x40: {  	s8 =	sand.u32 $0x1FFFFFF0, s12;
	s29 =	spop (v2sf);
	s25 =	sshll.u32 s13, $0x4  }
0x41: {  	[tilespmem:s20], [sflag:$0x1] =	stream.linear.gather [hbm4b:s26+s2], $0x80, $0x38;
	[tilespmem:$0x5680] =	vst v63  }
0x42: {  	s30 =	sadd.s32 s3, s8;
	s31 =	sshll.u32 s29, $0x4;
	s28 =	sand.u32 $0x1FFFFFF0, s25  }
0x43: {  	[tilespmem:s17], [sflag:$0x1] =	stream.linear.gather [hbm4b:s30+s2], $0x80, $0x38;
	[tilespmem:$0x5680] =	vst v63  }
0x44: {  	s12 =	spop (v2sf);
	s8 =	sand.u32 $0x1FFFFFF0, s31;
	s7 =	sadd.s32 s3, s28  }
0x45: {  	[tilespmem:s19], [sflag:$0x1] =	stream.linear.gather [hbm4b:s7+s2], $0x80, $0x38;
	[tilespmem:$0x5680] =	vst v63  }
0x46: {  	s22 =	sadd.s32 s3, s6;
	s25 =	simm.s32 $0xD00;
	s13 =	sadd.s32 s3, s8  }
0x47: {  	[tilespmem:s18], [sflag:$0x1] =	stream.linear.gather [hbm4b:s13+s2], $0x80, $0x38;
	[tilespmem:$0x5680] =	vst v63  }
0x48: {  	s20 =	sadd.s32 s3, s9;
	s17 =	sshll.u32 s12, $0x4;
	s19 =	spop (v2sf)  }
0x49: {  	[tilespmem:s21], [sflag:$0x1] =	stream.linear.gather [hbm4b:s20+s2], $0x80, $0x38;
	[tilespmem:$0x5680] =	vst v63  }
0x4a: {  	s1 =	sand.u32 $0x1FFFFFF0, s17;
	s8 =	sshll.u32 s19, $0x4;
	s24 =	spop (v2sf)  }
0x4b: {  	[tilespmem:s16], [sflag:$0x1] =	stream.linear.gather [hbm4b:s22+s2], $0x80, $0x38;
	[tilespmem:$0x5680] =	vst v63  }
0x4c: {  	s1 =	sadd.s32 s3, s1;
	s23 =	sand.u32 $0x1FFFFFF0, s8;
	s8 =	sshll.u32 s24, $0x4  }
0x4d: {  	[tilespmem:s25], [sflag:$0x1] =	stream.linear.gather [hbm4b:s1+s2], $0x80, $0x38;
	[tilespmem:$0x5680] =	vst v63  }
0x4e: {  	s26 =	simm.s32 $0xD80;
	s28 =	sadd.s32 s3, s23;
	s29 =	sand.u32 $0x1FFFFFF0, s8  }
0x4f: {  	[tilespmem:s26], [sflag:$0x1] =	stream.linear.gather [hbm4b:s28+s2], $0x80, $0x38;
	[tilespmem:$0x5680] =	vst v63  }
0x50: {  	s30 =	simm.s32 $0xE00;
	s31 =	sadd.s32 s3, s29  }
0x51: {  	[tilespmem:s30], [sflag:$0x1] =	stream.linear.gather [hbm4b:s31+s2], $0x80, $0x38;
	[tilespmem:$0x5680] =	vst v63  }
0x52: {  	_ =	swait.ge [sflag:s11], $0x80  }
0x53: {  	[sflag:s11] =	ssyncset.done $0x0  }
0x54: {  	[sflag:s11] =	ssyncadd.s32 $0xFFFFFF80  }
0x55: {  	_ =	swait.ge [sflag:s11], $0x80  }
0x56: {  	[sflag:s11] =	ssyncset.done $0x0  }
0x57: {  	[sflag:s11] =	ssyncadd.s32 $0xFFFFFF80  }
0x58: {  	_ =	swait.ge [sflag:s11], $0x80  }
0x59: {  	[sflag:s11] =	ssyncset.done $0x0  }
0x5a: {  	[sflag:s11] =	ssyncadd.s32 $0xFFFFFF80  }
0x5b: {  	_ =	swait.ge [sflag:s11], $0x80  }
0x5c: {  	[sflag:s11] =	ssyncset.done $0x0  }
0x5d: {  	[sflag:s11] =	ssyncadd.s32 $0xFFFFFF80  }
0x5e: {  	_ =	swait.ge [sflag:s11], $0x80  }
0x5f: {  	[sflag:s11] =	ssyncset.done $0x0  }
0x60: {  	[sflag:s11] =	ssyncadd.s32 $0xFFFFFF80  }
0x61: {  	_ =	swait.ge [sflag:s11], $0x80  }
0x62: {  	[sflag:s11] =	ssyncset.done $0x0  }
0x63: {  	[sflag:s11] =	ssyncadd.s32 $0xFFFFFF80  }
0x64: {  	_ =	swait.ge [sflag:s11], $0x80  }
0x65: {  	[sflag:s11] =	ssyncset.done $0x0  }
0x66: {  	[sflag:s11] =	ssyncadd.s32 $0xFFFFFF80  }
0x67: {  	_ =	swait.ge [sflag:s11], $0x80  }
0x68: {  	[sflag:s11] =	ssyncset.done $0x0  }
0x69: {  	[sflag:s11] =	ssyncadd.s32 $0xFFFFFF80  }
0x6a: {  	_ =	swait.ge [sflag:s11], $0x80  }
0x6b: {  	[sflag:s11] =	ssyncset.done $0x0  }
0x6c: {  	[sflag:s11] =	ssyncadd.s32 $0xFFFFFF80  }
0x6d: {  	_ =	swait.ge [sflag:s11], $0x80  }
0x6e: {  	[sflag:s11] =	ssyncset.done $0x0  }
0x6f: {  	[sflag:s11] =	ssyncadd.s32 $0xFFFFFF80  }
0x70: {  	_ =	swait.ge [sflag:s11], $0x80  }
0x71: {  	[sflag:s11] =	ssyncset.done $0x0  }
0x72: {  	[sflag:s11] =	ssyncadd.s32 $0xFFFFFF80  }
0x73: {  	_ =	swait.ge [sflag:s11], $0x80  }
0x74: {  	[sflag:s11] =	ssyncset.done $0x0  }
0x75: {  	[sflag:s11] =	ssyncadd.s32 $0xFFFFFF80  }
0x76: {  	s17 =	smov.u32 s14;
	s16 =	simm.s32 $0x2000;
	_ =	swait.ge [sflag:s11], $0x80  }
.LBB2_3:
0x77: {  	p0 =	sne.s32 s16, $0x12000;
	[sflag:s11] =	ssyncset.done $0x0;
	s17 =	sadd.s32 $0x10, s17  }
0x78: {  	s18 =	smov.u32 s16;
	s16 =	sadd.s32 $0x2000, s16;
	[sflag:s11] =	ssyncadd.s32 $0xFFFFFF80  }
0x79: {  	_ =	swait.ge [sflag:s11], $0x80  }
0x7a: {  	[sflag:s11] =	ssyncset.done $0x0  }
0x7b: {  	[sflag:s11] =	ssyncadd.s32 $0xFFFFFF80  }
0x7c: {  	_ =	swait.ge [sflag:s11], $0x80  }
0x7d: {  	[sflag:s11] =	ssyncset.done $0x0  }
0x7e: {  	[sflag:s11] =	ssyncadd.s32 $0xFFFFFF80  }
0x7f: {  	_ =	swait.ge [sflag:s11], $0x80  }
0x80: {  	[sflag:s11] =	ssyncset.done $0x0  }
0x81: {  	[sflag:s11] =	ssyncadd.s32 $0xFFFFFF80  }
0x82: {  	v0 =	vld [tilespmem:s17+$0x0];
	_ =	sdelay $0x4  }
0x83: {  	v1 =	vsel vm4, $0x0, v0;
	v2 =	vsel vm5, $0x0, v0;
	v3 =	vsel vm15, $0x0, v0  }
0x84: {  	v4 =	vsel vm1, $0x0, v0;
	v5 =	vsel vm2, $0x0, v0;
	v6 =	vsel vm3, $0x0, v0;
	(xrf0) =	vadd.scan.msk.s32 $0xffff, v1  }
0x85: {  	v1 =	vsel vm7, $0x0, v0;
	(xrf0) =	vadd.scan.msk.s32 $0xffff, v2  }
0x86: {  	v2 =	vsel vm8, $0x0, v0;
	(xrf0) =	vadd.scan.msk.s32 $0xffff, v6  }
0x87: {  	v6 =	vsel vm9, $0x0, v0;
	(xrf0) =	vadd.scan.msk.s32 $0xffff, v5  }
0x88: {  	v7 =	vsel vm10, $0x0, v0;
	v5 =	vnsel vm0, $0x0, v0;
	(xrf0) =	vadd.scan.msk.s32 $0xffff, v4  }
0x89: {  	v4 =	vsel vm11, $0x0, v0;
	(xrf0) =	vadd.scan.msk.s32 $0xffff, v5  }
0x8a: {  	v5 =	vsel vm12, $0x0, v0;
	v8, _, _ =	vpop (xrf0);
	(xrf0) =	vadd.scan.msk.s32 $0xffff, v4  }
0x8b: {  	v10 =	vsel vm13, $0x0, v0;
	(v2sf) =	vpush v8, $0xF;
	v8, _, _ =	vpop (xrf0);
	(xrf0) =	vadd.scan.msk.s32 $0xffff, v5  }
0x8c: {  	v11 =	vsel vm14, $0x0, v0;
	v9, _, _ =	vpop (xrf0);
	(v2sf) =	vpush v8, $0xF;
	(xrf0) =	vadd.scan.msk.s32 $0xffff, v10  }
0x8d: {  	v4, _, _ =	vpop (xrf0);
	(v2sf) =	vpush v9, $0xF;
	(xrf0) =	vadd.scan.msk.s32 $0xffff, v11  }
0x8e: {  	v8 =	vsel vm6, $0x0, v0;
	v5, _, _ =	vpop (xrf0);
	(v2sf) =	vpush v4, $0xF;
	(xrf0) =	vadd.scan.msk.s32 $0xffff, v3  }
0x8f: {  	v3, _, _ =	vpop (xrf0);
	(v2sf) =	vpush v5, $0xF;
	(xrf0) =	vadd.scan.msk.s32 $0xffff, v8  }
0x90: {  	(v2sf) =	vpush v3, $0xF;
	(xrf0) =	vadd.scan.msk.s32 $0xffff, v1;
	v0, _, _ =	vpop (xrf0)  }
0x91: {  	(xrf0) =	vadd.scan.msk.s32 $0xffff, v2;
	(v2sf) =	vpush v0, $0xF;
	v0, _, _ =	vpop (xrf0)  }
0x92: {  	(xrf0) =	vadd.scan.msk.s32 $0xffff, v6;
	(v2sf) =	vpush v0, $0xF;
	v0, _, _ =	vpop (xrf0)  }
0x93: {  	(xrf0) =	vadd.scan.msk.s32 $0xffff, v7;
	v1, _, _ =	vpop (xrf0)  }
0x94: {  	v2, _, _ =	vpop (xrf0)  }
0x95: {  	v3, _, _ =	vpop (xrf0)  }
0x96: {  	s18 =	sshra.s32 s18, $0x2;
	v4, _, _ =	vpop (xrf0)  }
0x97: {  	s25 =	sadd.s32 $0x900, s18;
	s24 =	sadd.s32 $0xA00, s18;
	s21 =	sadd.s32 $0xA80, s18;
	(v2sf) =	vpush v3, $0xF;
	v3, _, _ =	vpop (xrf0)  }
0x98: {  	s28 =	sadd.s32 $0x880, s18;
	s26 =	sadd.s32 $0x980, s18;
	s22 =	sadd.s32 $0xB00, s18;
	v5, _, _ =	vpop (xrf0)  }
0x99: {  	s0 =	sadd.s32 $0x680, s18;
	s20 =	sadd.s32 $0xB80, s18;
	s19 =	sadd.s32 $0xC80, s18;
	(v2sf) =	vpush v4, $0xF;
	v4, _, _ =	vpop (xrf0)  }
0x9a: {  	s1 =	sadd.s32 $0x700, s18;
	s6 =	sadd.s32 $0x780, s18;
	s8 =	spop (v2sf)  }
0x9b: {  	s23 =	sadd.s32 $0xC00, s18;
	s8 =	sshll.u32 s8, $0x4;
	s9 =	spop (v2sf);
	(v2sf) =	vpush v3, $0xF  }
0x9c: {  	s8 =	sand.u32 $0x1FFFFFF0, s8;
	s9 =	sshll.u32 s9, $0x4;
	s29 =	spop (v2sf)  }
0x9d: {  	s29 =	sshll.u32 s29, $0x4;
	s9 =	sand.u32 $0x1FFFFFF0, s9;
	s30 =	spop (v2sf);
	(v2sf) =	vpush v5, $0xF  }
0x9e: {  	s30 =	sshll.u32 s30, $0x4;
	s31 =	sand.u32 $0x1FFFFFF0, s29;
	s29 =	spop (v2sf)  }
0x9f: {  	s29 =	sshll.u32 s29, $0x4;
	s30 =	sand.u32 $0x1FFFFFF0, s30;
	s7 =	spop (v2sf)  }
0xa0: {  	s7 =	sshll.u32 s7, $0x4;
	s13 =	sand.u32 $0x1FFFFFF0, s29;
	s29 =	spop (v2sf)  }
0xa1: {  	s7 =	sand.u32 $0x1FFFFFF0, s7;
	s29 =	sshll.u32 s29, $0x4;
	(v2sf) =	vpush v4, $0xF;
	s12 =	spop (v2sf)  }
0xa2: {  	s7 =	sadd.s32 s3, s7;
	s29 =	sand.u32 $0x1FFFFFF0, s29;
	s12 =	sshll.u32 s12, $0x4  }
0xa3: {  	[tilespmem:s0], [sflag:$0x1] =	stream.linear.gather [hbm4b:s7+s2], $0x80, $0x38;
	[tilespmem:$0x5680] =	vst v63  }
0xa4: {  	s9 =	sadd.s32 s3, s9;
	s0 =	sadd.s32 s3, s13;
	s7 =	sadd.s32 $0x800, s18  }
0xa5: {  	[tilespmem:s1], [sflag:$0x1] =	stream.linear.gather [hbm4b:s0+s2], $0x80, $0x38;
	(v2sf) =	vpush v0, $0xF;
	[tilespmem:$0x5680] =	vst v63  }
0xa6: {  	s0 =	sadd.s32 s3, s30;
	s1 =	sadd.s32 s3, s8;
	s8 =	spop (v2sf)  }
0xa7: {  	[tilespmem:s6], [sflag:$0x1] =	stream.linear.gather [hbm4b:s0+s2], $0x80, $0x38;
	(v2sf) =	vpush v1, $0xF;
	[tilespmem:$0x5680] =	vst v63  }
0xa8: {  	s0 =	sadd.s32 s3, s31;
	s6 =	sshll.u32 s8, $0x4;
	s8 =	spop (v2sf)  }
0xa9: {  	[tilespmem:s7], [sflag:$0x1] =	stream.linear.gather [hbm4b:s0+s2], $0x80, $0x38;
	[tilespmem:$0x5680] =	vst v63  }
0xaa: {  	s0 =	sand.u32 $0x1FFFFFF0, s6;
	s6 =	sshll.u32 s8, $0x4;
	s7 =	spop (v2sf)  }
0xab: {  	[tilespmem:s28], [sflag:$0x1] =	stream.linear.gather [hbm4b:s1+s2], $0x80, $0x38;
	(v2sf) =	vpush v2, $0xF;
	[tilespmem:$0x5680] =	vst v63  }
0xac: {  	s1 =	sand.u32 $0x1FFFFFF0, s6;
	s6 =	sshll.u32 s7, $0x4;
	s7 =	spop (v2sf)  }
0xad: {  	[tilespmem:s25], [sflag:$0x1] =	stream.linear.gather [hbm4b:s9+s2], $0x80, $0x38;
	[tilespmem:$0x5680] =	vst v63  }
0xae: {  	s0 =	sadd.s32 s3, s0;
	s6 =	sand.u32 $0x1FFFFFF0, s6;
	s7 =	sshll.u32 s7, $0x4  }
0xaf: {  	[tilespmem:s26], [sflag:$0x1] =	stream.linear.gather [hbm4b:s0+s2], $0x80, $0x38;
	[tilespmem:$0x5680] =	vst v63  }
0xb0: {  	s0 =	sadd.s32 s3, s1;
	s1 =	sand.u32 $0x1FFFFFF0, s7;
	s7 =	spop (v2sf)  }
0xb1: {  	[tilespmem:s24], [sflag:$0x1] =	stream.linear.gather [hbm4b:s0+s2], $0x80, $0x38;
	[tilespmem:$0x5680] =	vst v63  }
0xb2: {  	s0 =	sadd.s32 s3, s6;
	s6 =	sshll.u32 s7, $0x4;
	s7 =	sand.u32 $0x1FFFFFF0, s12  }
0xb3: {  	[tilespmem:s21], [sflag:$0x1] =	stream.linear.gather [hbm4b:s0+s2], $0x80, $0x38;
	[tilespmem:$0x5680] =	vst v63  }
0xb4: {  	s0 =	sadd.s32 s3, s1;
	s1 =	sand.u32 $0x1FFFFFF0, s6;
	s6 =	spop (v2sf)  }
0xb5: {  	[tilespmem:s22], [sflag:$0x1] =	stream.linear.gather [hbm4b:s0+s2], $0x80, $0x38;
	[tilespmem:$0x5680] =	vst v63  }
0xb6: {  	s0 =	sadd.s32 s3, s1;
	s1 =	sshll.u32 s6, $0x4;
	s6 =	spop (v2sf)  }
0xb7: {  	[tilespmem:s20], [sflag:$0x1] =	stream.linear.gather [hbm4b:s0+s2], $0x80, $0x38;
	[tilespmem:$0x5680] =	vst v63  }
0xb8: {  	s1 =	sand.u32 $0x1FFFFFF0, s1;
	s0 =	sadd.s32 s3, s29;
	s6 =	sshll.u32 s6, $0x4  }
0xb9: {  	[tilespmem:s23], [sflag:$0x1] =	stream.linear.gather [hbm4b:s0+s2], $0x80, $0x38;
	[tilespmem:$0x5680] =	vst v63  }
0xba: {  	s6 =	sand.u32 $0x1FFFFFF0, s6;
	s0 =	sadd.s32 s3, s7;
	s7 =	spop (v2sf)  }
0xbb: {  	[tilespmem:s19], [sflag:$0x1] =	stream.linear.gather [hbm4b:s0+s2], $0x80, $0x38;
	[tilespmem:$0x5680] =	vst v63  }
0xbc: {  	s1 =	sadd.s32 s3, s1;
	s0 =	sadd.s32 $0xD00, s18;
	s7 =	sshll.u32 s7, $0x4  }
0xbd: {  	[tilespmem:s0], [sflag:$0x1] =	stream.linear.gather [hbm4b:s1+s2], $0x80, $0x38;
	[tilespmem:$0x5680] =	vst v63  }
0xbe: {  	s0 =	sadd.s32 $0xD80, s18;
	s1 =	sadd.s32 s3, s6;
	s6 =	sand.u32 $0x1FFFFFF0, s7  }
0xbf: {  	[tilespmem:s0], [sflag:$0x1] =	stream.linear.gather [hbm4b:s1+s2], $0x80, $0x38;
	[tilespmem:$0x5680] =	vst v63  }
0xc0: {  	s0 =	sadd.s32 $0xE00, s18;
	s1 =	sadd.s32 s3, s6  }
0xc1: {  	[tilespmem:s0], [sflag:$0x1] =	stream.linear.gather [hbm4b:s1+s2], $0x80, $0x38;
	[tilespmem:$0x5680] =	vst v63  }
0xc2: {  	_ =	swait.ge [sflag:s11], $0x80  }
0xc3: {  	[sflag:s11] =	ssyncset.done $0x0  }
0xc4: {  	[sflag:s11] =	ssyncadd.s32 $0xFFFFFF80  }
0xc5: {  	_ =	swait.ge [sflag:s11], $0x80  }
0xc6: {  	[sflag:s11] =	ssyncset.done $0x0  }
0xc7: {  	[sflag:s11] =	ssyncadd.s32 $0xFFFFFF80  }
0xc8: {  	_ =	swait.ge [sflag:s11], $0x80  }
0xc9: {  	[sflag:s11] =	ssyncset.done $0x0  }
0xca: {  	[sflag:s11] =	ssyncadd.s32 $0xFFFFFF80  }
0xcb: {  	_ =	swait.ge [sflag:s11], $0x80  }
0xcc: {  	[sflag:s11] =	ssyncset.done $0x0  }
0xcd: {  	[sflag:s11] =	ssyncadd.s32 $0xFFFFFF80  }
0xce: {  	_ =	swait.ge [sflag:s11], $0x80  }
0xcf: {  	[sflag:s11] =	ssyncset.done $0x0  }
0xd0: {  	[sflag:s11] =	ssyncadd.s32 $0xFFFFFF80  }
0xd1: {  	_ =	swait.ge [sflag:s11], $0x80  }
0xd2: {  	[sflag:s11] =	ssyncset.done $0x0  }
0xd3: {  	[sflag:s11] =	ssyncadd.s32 $0xFFFFFF80  }
0xd4: {  	_ =	swait.ge [sflag:s11], $0x80  }
0xd5: {  	[sflag:s11] =	ssyncset.done $0x0  }
0xd6: {  	[sflag:s11] =	ssyncadd.s32 $0xFFFFFF80  }
0xd7: {  	_ =	swait.ge [sflag:s11], $0x80  }
0xd8: {  	[sflag:s11] =	ssyncset.done $0x0  }
0xd9: {  	[sflag:s11] =	ssyncadd.s32 $0xFFFFFF80  }
0xda: {  	_ =	swait.ge [sflag:s11], $0x80  }
0xdb: {  	[sflag:s11] =	ssyncset.done $0x0  }
0xdc: {  	[sflag:s11] =	ssyncadd.s32 $0xFFFFFF80  }
0xdd: {  	_ =	swait.ge [sflag:s11], $0x80  }
0xde: {  	[sflag:s11] =	ssyncset.done $0x0  }
0xdf: {  	[sflag:s11] =	ssyncadd.s32 $0xFFFFFF80  }
0xe0: {  	_ =	swait.ge [sflag:s11], $0x80  }
0xe1: {  	[sflag:s11] =	ssyncset.done $0x0  }
.Ltmp0:
0xe2: {  	[sflag:s11] =	ssyncadd.s32 $0xFFFFFF80;
	(pc) =	sbr.rel @p0 .LBB2_3-.Ltmp0, $4  }
0xe3: {  	_ =	swait.ge [sflag:s11], $0x80  }
0xe4: {  	[sflag:s11] =	ssyncset.done $0x0  }
0xe5: {  	[sflag:s11] =	ssyncadd.s32 $0xFFFFFF80  }
0xe6: {  	_ =	swait.ge [sflag:s11], $0x80  }
0xe7: {  	[sflag:s11] =	ssyncset.done $0x0  }
0xe8: {  	[sflag:s11] =	ssyncadd.s32 $0xFFFFFF80  }
0xe9: {  	_ =	swait.ge [sflag:s11], $0x80  }
0xea: {  	[sflag:s11] =	ssyncset.done $0x0  }
0xeb: {  	[sflag:s11] =	ssyncadd.s32 $0xFFFFFF80  }
0xec: {  	_ =	swait.ge [sflag:s11], $0x80  }
0xed: {  	s0 =	smul.u32 $0xA0, s15;
	[sflag:s11] =	ssyncset.done $0x0  }
0xee: {  	s1 =	simm.s32 $0x680;
	[sflag:s11] =	ssyncadd.s32 $0xFFFFFF80  }
0xef: {  	s15 =	sadd.s32 $0x1, s15;
	s0 =	sadd.s32 s5, s0;
	_ =	swait.ge [sflag:s11], $0x80  }
0xf0: {  	p0 =	sne.s32 s15, $0xA;
	s0 =	sshll.u32 s0, $0x4;
	[sflag:s11] =	ssyncset.done $0x0  }
.Ltmp1:
0xf1: {  	s0 =	sadd.s32 s4, s0;
	[sflag:s11] =	ssyncadd.s32 $0xFFFFFF80;
	(pc) =	sbr.rel @p0 .LBB2_2-.Ltmp1, $4  }
0xf2: {  	[hbm4b:s0+s2] =	stream.linear.scatter [tilespmem:s1], [sflag:$0x2], $0x5000, $0x38;
	[tilespmem:$0x5680] =	vst v63  }
0xf3: {  	_ =	swait.ge [sflag:s10], $0x5000  }
0xf4: {  	[sflag:s10] =	ssyncset.done $0x0  }
0xf5: {  	s14 =	sadd.s32 $0xA0, s14;
	[sflag:s10] =	ssyncadd.s32 $0xFFFFB000  }
0xf6: {  	s1 =	rddreg [dreg:$0x5]  }
0xf7: {  	s0 =	rddreg [dreg:$0x4];
	s1 =	sadd.s32 $0x1, s1  }
0xf8: {  	p0 =	sne.s32 s1, s0  }
.Ltmp2:
0xf9: {  	_ = 	snop;
	(pc) =	sbr.rel @p0 .LBB2_1-.Ltmp2, $1  }
0xfa: {  	_ =	sdelay $0x3  }
0xfb: {  	_ =	sfence.sel $0x180000  }
0xfc: {  	[bflag:$0x0] =	sbarrier.arrive $0xFFFF  }
0xfd: {  	_ =	strace $0x90000047  }
0xfe: {  	s0 =	stileid.u32;
	[bflag:$0x2] =	sbarrier.arrive $0xFFFF  }
0xff: {  	p0 =	sne.s32 s0, $0x0;
	s0 =	rddreg [dreg:$0x2]  }
0x100: {  	s0 =	sadd.s32 @!p0 $0x100000, s0  }
0x101: {  	[sflag:s0] =	ssyncadd.tile.s32 @!p0 $0x1;
	_ =	shalt  }
.Lfunc_end2:
_tile_overlayer_lowered:
.L_overlay_start_2:
0x102: {  	(tag) =	ssettag $0x2  }
0x103: {  	s0 =	rddreg [dreg:$0x0];
	s2 =	stileid.u32  }
0x104: {  	s1 =	rddreg [dreg:$0x1];
	p0 =	sne.s32 s2, $0x0  }
0x105: {  	s3 =	rddreg [dreg:$0x2];
	[bflag:$0x3] =	sbarrier.arrive $0xFFFF;
	s2 =	simm.s32 @!p0 $0x1C02  }
0x106: {  	[timem:s3], [sflag:s2] =	dma.local @!p0 [hbm:s0], s1  }
0x107: {  	s0 =	simm.s32 @!p0 $0x2  }
0x108: {  	_ =	swait.ge @!p0 [sflag:s0], s1  }
0x109: {  	s1 =	ssub.s32 @!p0 $0x0, s1;
	[sflag:s0] =	ssyncset.done @!p0 $0x0  }
0x10a: {  	[sflag:s0] =	ssyncadd.s32 @!p0 s1  }
0x10b: {  	[bflag:$0x3] =	sbarrier.arrive $0xFFFF  }
0x10c: {  	_ =	shalt  }

</sc_bundles>
